<compile_context>
chip_gen: v7x
topology: tpu7x:2x2x1
jax: 0.10.2.dev20260603
libtpu: 0.0.44.dev20260713+nightly
codegen_flags: <defaults>
</compile_context>

<pallas_src>
import functools

import jax
import jax.numpy as jnp
from jax import lax
from jax.experimental import pallas as pl
from jax.experimental.pallas import tpu as pltpu
from jax.experimental.pallas import tpu_sc as plsc

_K = 3
_NITERS = 16
_D = 144
_NCH = 16
_L16 = 16

_NW = 32
_RPW_SC = 32
_NCHUNK = _RPW_SC // _L16
_ROWS_SC = _NW * _RPW_SC
_TC_BLOCKS = 41


def _sc_wos_call(u_pad, mask, weight, bias_row):
    mesh = plsc.VectorSubcoreMesh(core_axis_name="c", subcore_axis_name="s")

    @functools.partial(
        pl.kernel,
        mesh=mesh,
        out_type=jax.ShapeDtypeStruct((_NW, _NCH, _RPW_SC), jnp.float32),
        compiler_params=pltpu.CompilerParams(needs_layout_passes=False,
                                             use_tc_tiling_on_sc=False),
        scratch_types=[
            pltpu.VMEM((_RPW_SC, _D), jnp.float32),
            pltpu.VMEM((_NCH, 2 * _D), jnp.float32),
            pltpu.VMEM((_NCH, 2 * _D), jnp.float32),
            pltpu.VMEM((1, _L16), jnp.float32),
            pltpu.VMEM((_D, _L16), jnp.float32),
            pltpu.VMEM((_D, _L16), jnp.float32),
            pltpu.VMEM((_D, _L16), jnp.float32),
            pltpu.VMEM((_D, _L16), jnp.float32),
            pltpu.VMEM((_D, _L16), jnp.float32),
            pltpu.VMEM((_D, _L16), jnp.float32),
            pltpu.VMEM((_NCH, _RPW_SC), jnp.float32),
        ],
    )
    def k(u_hbm, mask_hbm, w_hbm, bias_hbm, out_hbm,
          u_v, mask_v, w_v, bias_v, mp_v, mm_v, wp_v, wm_v, mxp_v, mxm_v, out_v):
        wid = lax.axis_index("s") * 2 + lax.axis_index("c")
        pltpu.sync_copy(u_hbm.at[wid], u_v)
        pltpu.sync_copy(mask_hbm, mask_v)
        pltpu.sync_copy(w_hbm, w_v)
        pltpu.sync_copy(bias_hbm, bias_v)

        lane = lax.iota(jnp.int32, _L16)
        zf = jnp.zeros((_L16,), jnp.float32)
        zi = jnp.zeros((_L16,), jnp.int32)
        inf = jnp.full((_L16,), jnp.inf, jnp.float32)

        def chan_body(c, _):
            c_idx = zi + c
            b = plsc.load_gather(bias_v, [zi, c_idx])

            def splat_body(d, didx):
                mp_v[d] = plsc.load_gather(mask_v, [c_idx, didx])
                mm_v[d] = plsc.load_gather(mask_v, [c_idx, didx + _D])
                wp_v[d] = plsc.load_gather(w_v, [c_idx, didx])
                wm_v[d] = plsc.load_gather(w_v, [c_idx, didx + _D])
                return didx + 1
            lax.fori_loop(0, _D, splat_body, zi, unroll=2)

            def chunk_body(ch, _):
                rows = ch * _L16 + lane

                def pre_body(d, carry):
                    didx, mn, mx = carry
                    ug = plsc.load_gather(u_v, [rows, didx])
                    a = ug + mp_v[d]
                    bb = mm_v[d] - ug
                    mxp_v[d] = a
                    mxm_v[d] = bb
                    mn = jnp.minimum(mn, jnp.minimum(a, bb))
                    mx = jnp.maximum(mx, jnp.maximum(a, bb))
                    return didx + 1, mn, mx
                _, lo0, hi0 = lax.fori_loop(0, _D, pre_body, (zi, inf, -inf),
                                            unroll=2)

                def bis_body(_, lohi):
                    lo, hi = lohi
                    t = 0.5 * (lo + hi)

                    def acc_body(d4, acc):
                        d = d4 * 4
                        for q in range(4):
                            acc = acc + jnp.where(mxp_v[d + q] >= t, wp_v[d + q], zf)
                            acc = acc + jnp.where(mxm_v[d + q] >= t, wm_v[d + q], zf)
                        return acc
                    g = lax.fori_loop(0, _D // 4, acc_body, zf)
                    le = g <= b
                    return jnp.where(le, lo, t), jnp.where(le, t, hi)
                _, hi = lax.fori_loop(0, _NITERS, bis_body, (lo0, hi0))

                def ext_body(d4, ans):
                    d = d4 * 4
                    for q in range(4):
                        a = mxp_v[d + q]
                        bb = mxm_v[d + q]
                        ans = jnp.minimum(ans, jnp.where(a >= hi, a, inf))
                        ans = jnp.minimum(ans, jnp.where(bb >= hi, bb, inf))
                    return ans
                ans = lax.fori_loop(0, _D // 4, ext_body, inf)
                out_v[c, pl.ds(ch * _L16, _L16)] = ans
                return 0
            lax.fori_loop(0, _NCHUNK, chunk_body, 0)
            return 0

        lax.fori_loop(0, _NCH, chan_body, 0)
        pltpu.sync_copy(out_v, out_hbm.at[wid])

    return k(u_pad, mask, weight, bias_row)


def _tc_body(u_ref, mp_ref, mm_ref, wp_ref, wm_ref, bias_ref, out_ref):
    c = pl.program_id(1)
    u = u_ref[...]
    mp = mp_ref[0]
    mm = mm_ref[0]
    wp = wp_ref[0]
    wm = wm_ref[0]
    b = bias_ref[c, 0]

    mxp = u + mp
    mxm = mm - u

    hi0 = jnp.maximum(jnp.max(mxp, axis=0, keepdims=True),
                      jnp.max(mxm, axis=0, keepdims=True))
    lo0 = jnp.minimum(jnp.min(mxp, axis=0, keepdims=True),
                      jnp.min(mxm, axis=0, keepdims=True))

    h = mxp.shape[0] // 2

    def body(_, carry):
        lo, hi = carry
        t = 0.5 * (lo + hi)
        g = ((jnp.sum(jnp.where(mxp[:h] >= t, wp[:h], 0.0), axis=0, keepdims=True)
              + jnp.sum(jnp.where(mxp[h:] >= t, wp[h:], 0.0), axis=0, keepdims=True))
             + (jnp.sum(jnp.where(mxm[:h] >= t, wm[:h], 0.0), axis=0, keepdims=True)
                + jnp.sum(jnp.where(mxm[h:] >= t, wm[h:], 0.0), axis=0, keepdims=True)))
        le = g <= b
        return jnp.where(le, lo, t), jnp.where(le, t, hi)

    lo, hi = jax.lax.fori_loop(0, _NITERS, body, (lo0, hi0))

    inf = jnp.float32(jnp.inf)
    ap = jnp.min(jnp.where(mxp >= hi, mxp, inf), axis=0, keepdims=True)
    am = jnp.min(jnp.where(mxm >= hi, mxm, inf), axis=0, keepdims=True)
    ans = jnp.minimum(ap, am)
    ans = jnp.where(jnp.isfinite(ans), ans, hi0)
    out_ref[...] = ans[None]


def _tc_wos_call(uT, maskp, maskm, wp, wm, bias, n_rows, n_chan, d, n_blocks):
    rb = n_rows // n_blocks
    return pl.pallas_call(
        _tc_body,
        grid=(n_blocks, n_chan),
        in_specs=[
            pl.BlockSpec((d, rb), lambda r, c: (0, r)),
            pl.BlockSpec((1, d, 1), lambda r, c: (c, 0, 0)),
            pl.BlockSpec((1, d, 1), lambda r, c: (c, 0, 0)),
            pl.BlockSpec((1, d, 1), lambda r, c: (c, 0, 0)),
            pl.BlockSpec((1, d, 1), lambda r, c: (c, 0, 0)),
            pl.BlockSpec(memory_space=pltpu.SMEM),
        ],
        out_specs=pl.BlockSpec((1, 1, rb), lambda r, c: (c, 0, r)),
        out_shape=jax.ShapeDtypeStruct((n_chan, 1, n_rows), jnp.float32),
    )(uT, maskp, maskm, wp, wm, bias)


@jax.jit
def kernel(x, mask, weight, bias):
    b_, c_, h_, w_ = x.shape
    d = c_ * _K * _K
    nc = mask.shape[0]
    l = h_ * w_
    n = b_ * l

    xp = jnp.pad(x, ((0, 0), (0, 0), (1, 1), (1, 1)))
    patches = [xp[:, :, i:i + h_, j:j + w_] for i in range(_K) for j in range(_K)]
    u = jnp.stack(patches, axis=2).reshape(b_, d, l)
    uT = jnp.transpose(u, (1, 0, 2)).reshape(d, n)

    u_sc = jnp.transpose(uT[:, :_ROWS_SC]).reshape(_NW, _RPW_SC, d)
    y_sc = _sc_wos_call(u_sc, mask, weight, bias.reshape(1, nc))
    y_sc = jnp.transpose(y_sc, (1, 0, 2)).reshape(nc, _ROWS_SC)

    maskp = mask[:, :d, None]
    maskm = mask[:, d:, None]
    wp = weight[:, :d, None]
    wm = weight[:, d:, None]
    y_tc = _tc_wos_call(uT[:, _ROWS_SC:], maskp, maskm, wp, wm, bias,
                        n - _ROWS_SC, nc, d, _TC_BLOCKS)

    y = jnp.concatenate([y_sc, y_tc[:, 0, :]], axis=1)
    out = y.reshape(nc, b_, l).transpose(1, 0, 2).reshape(b_, nc, h_, w_)
    return out

# --- scband reference (transcript-rebuilt; emitter-appended) ---
"""Pipeline reference for scband-wos-72842645340328 (READ-ONLY COPY).

The authoritative reference and input builder live on the scoring server;
editing this copy changes nothing except your own understanding.
"""

import jax, jax.numpy as jnp
import numpy as np

ZERO_TOL = 1e-06
B, C, H, W = 2, 16, 56, 56
K = 3
NC = 16
D = C * K * K
MD = 2 * D


def fixed_padding(x, kernel_size, dilation=1):
    keff = kernel_size + (kernel_size - 1) * (dilation - 1)
    pad_total = keff - 1
    pb = pad_total // 2
    pe = pad_total - pb
    return jnp.pad(x, ((0, 0), (0, 0), (pb, pe), (pb, pe)))


def unfold(x, k):
    b, c, h, w = x.shape
    oh, ow = h - k + 1, w - k + 1
    patches = []
    for i in range(k):
        for j in range(k):
            patches.append(x[:, :, i:i + oh, j:j + ow])
    p = jnp.stack(patches, axis=2)
    return p.reshape(b, c * k * k, oh * ow)


def _wos_channel(inp, m, w, b):
    # inp: (N, MD), m/w: (MD,), b: scalar
    mx = inp + m[None, :]
    order = jnp.argsort(-mx, axis=1)          # descending sort indices
    smx = jnp.take_along_axis(mx, order, axis=1)
    sw = w[order]                              # weights permuted by sort order
    accw = jnp.cumsum(sw, axis=1)
    li = jnp.sum((accw <= b).astype(jnp.int32), axis=1) - 1
    li = jnp.maximum(li, 0)
    return jnp.take_along_axis(smx, li[:, None], axis=1)[:, 0]


def _forward(x, mask, weight, bias):
    xp = fixed_padding(x, K)
    u = unfold(xp, K)                          # (B, D, L) matching torch nn.Unfold ordering
    L = u.shape[-1]
    Ls = int(np.sqrt(L))
    # torch: (1,D,B,L) -> view(1,D,B*L) -> permute -> (B*L,1,D); row index = b*L + l
    inp = jnp.transpose(u, (0, 2, 1)).reshape(-1, u.shape[1])
    inp = jnp.concatenate([inp, -inp], axis=1)  # (N, MD)
    y = jax.vmap(_wos_channel, in_axes=(None, 0, 0, 0))(inp, mask, weight, bias[:, 0])  # (NC, N)
    y = jnp.transpose(y, (1, 0))                # (N, NC)
    out = y.reshape(x.shape[0], L, NC)
    out = jnp.transpose(out, (0, 2, 1)).reshape(x.shape[0], NC, Ls, Ls)
    return out


def setup_inputs(seed: int = 0):
    key = jax.random.key(seed)
    k1, k2, k3, k4 = jax.random.split(key, 4)
    x = jax.random.normal(k1, (B, C, H, W), dtype=jnp.float32)
    # weight ~ U(0,1) per torch init; keep strictly above ZERO_TOL so the all-nonzero path is taken
    weight = jax.random.uniform(k2, (NC, MD), dtype=jnp.float32, minval=1e-3, maxval=1.0)
    bias = jax.random.uniform(k3, (NC, 1), dtype=jnp.float32) * weight.sum(axis=1, keepdims=True)
    mask = jax.random.uniform(k4, (NC, MD), dtype=jnp.float32, minval=-1.0, maxval=1.0)
    return {"x": x, "mask": mask, "weight": weight, "bias": bias}


def reference(x, mask, weight, bias):
    return _forward(x, mask, weight, bias)

if __name__ == "__main__":
    import jax
    _d = setup_inputs()
    print(jax.jit(kernel)(*tuple(_d.values())))

</pallas_src>

<mosaic_0001>
#map = affine_map<(d0, d1) -> (0, 0, 0)>
#map1 = affine_map<(d0, d1) -> (0, 0)>
module attributes {stable_mosaic.version = 14 : i64} {
  func.func @k(%arg0: i32, %arg1: i32, %arg2: memref<32x32x144xf32, #tpu.memory_space<hbm>>, %arg3: memref<16x288xf32, #tpu.memory_space<hbm>>, %arg4: memref<16x288xf32, #tpu.memory_space<hbm>>, %arg5: memref<1x16xf32, #tpu.memory_space<hbm>>, %arg6: memref<32x16x32xf32, #tpu.memory_space<hbm>>, %arg7: memref<32x144xf32, #tpu.memory_space<vmem>>, %arg8: memref<16x288xf32, #tpu.memory_space<vmem>>, %arg9: memref<16x288xf32, #tpu.memory_space<vmem>>, %arg10: memref<1x16xf32, #tpu.memory_space<vmem>>, %arg11: memref<144x16xf32, #tpu.memory_space<vmem>>, %arg12: memref<144x16xf32, #tpu.memory_space<vmem>>, %arg13: memref<144x16xf32, #tpu.memory_space<vmem>>, %arg14: memref<144x16xf32, #tpu.memory_space<vmem>>, %arg15: memref<144x16xf32, #tpu.memory_space<vmem>>, %arg16: memref<144x16xf32, #tpu.memory_space<vmem>>, %arg17: memref<16x32xf32, #tpu.memory_space<vmem>>) attributes {dimension_semantics = [#tpu.dimension_semantics<core_parallel>, #tpu.dimension_semantics<subcore_parallel>], iteration_bounds = array<i64: 2, 16>, scalar_prefetch = 0 : i64, scratch_operands = 11 : i64, tpu.core_type = #tpu.core_type<sc_vector_subcore>, window_params = [{transform_indices = #map}, {transform_indices = #map1}, {transform_indices = #map1}, {transform_indices = #map1}, {transform_indices = #map}]} {
    %mul3A = arith.constant 2 : i32
    %mul3A_0 = arith.muli %arg1, %mul3A : i32
    %add3A = arith.addi %mul3A_0, %arg0 : i32
    "tpu.region"() ({
      %run_scoped3A = tpu.sem_alloc : memref<!tpu.dma_semaphore, #tpu.memory_space<semaphore_mem>>
      %dma_start3A = arith.constant 0 : i32
      %dma_start3A_12 = arith.constant 0 : i32
      %dma_start3A_13 = tpu.memref_slice %arg2[%add3A, %dma_start3A, %dma_start3A_12] : memref<32x32x144xf32, #tpu.memory_space<hbm>> -> memref<1x32x144xf32, #tpu.memory_space<hbm>>
      %dma_start3A_14 = tpu.memref_squeeze %dma_start3A_13 : memref<1x32x144xf32, #tpu.memory_space<hbm>> -> memref<32x144xf32, #tpu.memory_space<hbm>>
      %dma_start3A_15 = arith.constant 0 : i32
      %dma_start3A_16 = arith.constant 0 : i32
      %dma_start3A_17 = tpu.memref_slice %arg2[%add3A, %dma_start3A_15, %dma_start3A_16] : memref<32x32x144xf32, #tpu.memory_space<hbm>> -> memref<1x32x144xf32, #tpu.memory_space<hbm>>
      %dma_start3A_18 = tpu.memref_squeeze %dma_start3A_17 : memref<1x32x144xf32, #tpu.memory_space<hbm>> -> memref<32x144xf32, #tpu.memory_space<hbm>>
      tpu.enqueue_dma source(%dma_start3A_18 : memref<32x144xf32, #tpu.memory_space<hbm>>) target(%arg7 : memref<32x144xf32, #tpu.memory_space<vmem>>) target_semaphore(%run_scoped3A : memref<!tpu.dma_semaphore, #tpu.memory_space<semaphore_mem>>)
      %dma_wait3A = arith.constant 0 : i32
      %dma_wait3A_19 = arith.constant 0 : i32
      %dma_wait3A_20 = tpu.memref_slice %arg2[%add3A, %dma_wait3A, %dma_wait3A_19] : memref<32x32x144xf32, #tpu.memory_space<hbm>> -> memref<1x32x144xf32, #tpu.memory_space<hbm>>
      %dma_wait3A_21 = tpu.memref_squeeze %dma_wait3A_20 : memref<1x32x144xf32, #tpu.memory_space<hbm>> -> memref<32x144xf32, #tpu.memory_space<hbm>>
      %dma_wait3A_22 = arith.constant 0 : i32
      %dma_wait3A_23 = arith.constant 0 : i32
      %dma_wait3A_24 = tpu.memref_slice %arg2[%add3A, %dma_wait3A_22, %dma_wait3A_23] : memref<32x32x144xf32, #tpu.memory_space<hbm>> -> memref<1x32x144xf32, #tpu.memory_space<hbm>>
      %dma_wait3A_25 = tpu.memref_squeeze %dma_wait3A_24 : memref<1x32x144xf32, #tpu.memory_space<hbm>> -> memref<32x144xf32, #tpu.memory_space<hbm>>
      tpu.wait_dma2 semaphore(%run_scoped3A : memref<!tpu.dma_semaphore, #tpu.memory_space<semaphore_mem>>) src(%dma_wait3A_25 : memref<32x144xf32, #tpu.memory_space<hbm>>) dst(%arg7 : memref<32x144xf32, #tpu.memory_space<vmem>>)
      tpu.yield
    }) : () -> ()
    "tpu.region"() ({
      %run_scoped3A = tpu.sem_alloc : memref<!tpu.dma_semaphore, #tpu.memory_space<semaphore_mem>>
      tpu.enqueue_dma source(%arg3 : memref<16x288xf32, #tpu.memory_space<hbm>>) target(%arg8 : memref<16x288xf32, #tpu.memory_space<vmem>>) target_semaphore(%run_scoped3A : memref<!tpu.dma_semaphore, #tpu.memory_space<semaphore_mem>>)
      tpu.wait_dma2 semaphore(%run_scoped3A : memref<!tpu.dma_semaphore, #tpu.memory_space<semaphore_mem>>) src(%arg3 : memref<16x288xf32, #tpu.memory_space<hbm>>) dst(%arg8 : memref<16x288xf32, #tpu.memory_space<vmem>>)
      tpu.yield
    }) : () -> ()
    "tpu.region"() ({
      %run_scoped3A = tpu.sem_alloc : memref<!tpu.dma_semaphore, #tpu.memory_space<semaphore_mem>>
      tpu.enqueue_dma source(%arg4 : memref<16x288xf32, #tpu.memory_space<hbm>>) target(%arg9 : memref<16x288xf32, #tpu.memory_space<vmem>>) target_semaphore(%run_scoped3A : memref<!tpu.dma_semaphore, #tpu.memory_space<semaphore_mem>>)
      tpu.wait_dma2 semaphore(%run_scoped3A : memref<!tpu.dma_semaphore, #tpu.memory_space<semaphore_mem>>) src(%arg4 : memref<16x288xf32, #tpu.memory_space<hbm>>) dst(%arg9 : memref<16x288xf32, #tpu.memory_space<vmem>>)
      tpu.yield
    }) : () -> ()
    "tpu.region"() ({
      %run_scoped3A = tpu.sem_alloc : memref<!tpu.dma_semaphore, #tpu.memory_space<semaphore_mem>>
      tpu.enqueue_dma source(%arg5 : memref<1x16xf32, #tpu.memory_space<hbm>>) target(%arg10 : memref<1x16xf32, #tpu.memory_space<vmem>>) target_semaphore(%run_scoped3A : memref<!tpu.dma_semaphore, #tpu.memory_space<semaphore_mem>>)
      tpu.wait_dma2 semaphore(%run_scoped3A : memref<!tpu.dma_semaphore, #tpu.memory_space<semaphore_mem>>) src(%arg5 : memref<1x16xf32, #tpu.memory_space<hbm>>) dst(%arg10 : memref<1x16xf32, #tpu.memory_space<vmem>>)
      tpu.yield
    }) : () -> ()
    %iota3A = tpu.iota {dimensions = array<i32: 0>} : vector<16xi32>
    %broadcast_in_dim3A = arith.constant 0.000000e+00 : f32
    %broadcast_in_dim3A_1 = vector.broadcast %broadcast_in_dim3A : f32 to vector<16xf32>
    %broadcast_in_dim3A_2 = arith.constant 0 : i32
    %broadcast_in_dim3A_3 = vector.broadcast %broadcast_in_dim3A_2 : i32 to vector<16xi32>
    %broadcast_in_dim3A_4 = arith.constant 0x7F800000 : f32
    %broadcast_in_dim3A_5 = vector.broadcast %broadcast_in_dim3A_4 : f32 to vector<16xf32>
    %scan3A = arith.constant 0 : i32
    %scan3A_6 = arith.constant 0 : i32
    %scan3A_7 = arith.constant 16 : i32
    %scan3A_8 = arith.addi %scan3A_6, %scan3A_7 : i32
    %scan3A_9 = arith.constant 1 : i32
    %scan3A_10 = scf.for %scan3A_12 = %scan3A_6 to %scan3A_8 step %scan3A_9 iter_args(%scan3A_13 = %scan3A) -> (i32)  : i32 {
      %add3A_14 = vector.broadcast %scan3A_12 : i32 to vector<16xi32>
      %add3A_15 = arith.addi %broadcast_in_dim3A_3, %add3A_14 : vector<16xi32>
      %gather3A = tpu.vector_load_idx %arg10[%broadcast_in_dim3A_3, %add3A_15] : memref<1x16xf32, #tpu.memory_space<vmem>>[vector<16xi32>, vector<16xi32>], vector<16xf32>,
      %scan3A_16 = arith.constant 0 : i32
      %scan3A_17 = arith.constant 144 : i32
      %scan3A_18 = arith.addi %scan3A_16, %scan3A_17 : i32
      %scan3A_19 = arith.constant 2 : i32
      %scan3A_20 = scf.for %scan3A_30 = %scan3A_16 to %scan3A_18 step %scan3A_19 iter_args(%scan3A_31 = %broadcast_in_dim3A_3) -> (vector<16xi32>)  : i32 {
        %gather3A_32 = tpu.vector_load_idx %arg8[%add3A_15, %scan3A_31] : memref<16x288xf32, #tpu.memory_space<vmem>>[vector<16xi32>, vector<16xi32>], vector<16xf32>,
        %swap3A = arith.index_cast %scan3A_30 : i32 to index
        %swap3A_33 = arith.constant 0 : index
        %swap3A_34 = tpu.vector_load %arg11[%swap3A, %swap3A_33] {strides = array<i32>} : memref<144x16xf32, #tpu.memory_space<vmem>>, vector<16xf32>,
        tpu.vector_store %arg11[%swap3A, %swap3A_33], %gather3A_32 {strides = array<i32>} : memref<144x16xf32, #tpu.memory_space<vmem>>, vector<16xf32>,
        %add3A_35 = arith.constant 144 : i32
        %add3A_36 = vector.broadcast %add3A_35 : i32 to vector<16xi32>
        %add3A_37 = arith.addi %scan3A_31, %add3A_36 : vector<16xi32>
        %gather3A_38 = tpu.vector_load_idx %arg8[%add3A_15, %add3A_37] : memref<16x288xf32, #tpu.memory_space<vmem>>[vector<16xi32>, vector<16xi32>], vector<16xf32>,
        %swap3A_39 = arith.index_cast %scan3A_30 : i32 to index
        %swap3A_40 = arith.constant 0 : index
        %swap3A_41 = tpu.vector_load %arg12[%swap3A_39, %swap3A_40] {strides = array<i32>} : memref<144x16xf32, #tpu.memory_space<vmem>>, vector<16xf32>,
        tpu.vector_store %arg12[%swap3A_39, %swap3A_40], %gather3A_38 {strides = array<i32>} : memref<144x16xf32, #tpu.memory_space<vmem>>, vector<16xf32>,
        %gather3A_42 = tpu.vector_load_idx %arg9[%add3A_15, %scan3A_31] : memref<16x288xf32, #tpu.memory_space<vmem>>[vector<16xi32>, vector<16xi32>], vector<16xf32>,
        %swap3A_43 = arith.index_cast %scan3A_30 : i32 to index
        %swap3A_44 = arith.constant 0 : index
        %swap3A_45 = tpu.vector_load %arg13[%swap3A_43, %swap3A_44] {strides = array<i32>} : memref<144x16xf32, #tpu.memory_space<vmem>>, vector<16xf32>,
        tpu.vector_store %arg13[%swap3A_43, %swap3A_44], %gather3A_42 {strides = array<i32>} : memref<144x16xf32, #tpu.memory_space<vmem>>, vector<16xf32>,
        %add3A_46 = arith.constant 144 : i32
        %add3A_47 = vector.broadcast %add3A_46 : i32 to vector<16xi32>
        %add3A_48 = arith.addi %scan3A_31, %add3A_47 : vector<16xi32>
        %gather3A_49 = tpu.vector_load_idx %arg9[%add3A_15, %add3A_48] : memref<16x288xf32, #tpu.memory_space<vmem>>[vector<16xi32>, vector<16xi32>], vector<16xf32>,
        %swap3A_50 = arith.index_cast %scan3A_30 : i32 to index
        %swap3A_51 = arith.constant 0 : index
        %swap3A_52 = tpu.vector_load %arg14[%swap3A_50, %swap3A_51] {strides = array<i32>} : memref<144x16xf32, #tpu.memory_space<vmem>>, vector<16xf32>,
        tpu.vector_store %arg14[%swap3A_50, %swap3A_51], %gather3A_49 {strides = array<i32>} : memref<144x16xf32, #tpu.memory_space<vmem>>, vector<16xf32>,
        %add3A_53 = arith.constant 1 : i32
        %add3A_54 = vector.broadcast %add3A_53 : i32 to vector<16xi32>
        %add3A_55 = arith.addi %scan3A_31, %add3A_54 : vector<16xi32>
        %scan3A_56 = arith.constant 1 : i32
        %scan3A_57 = arith.addi %scan3A_30, %scan3A_56 : i32
        %gather3A_58 = tpu.vector_load_idx %arg8[%add3A_15, %add3A_55] : memref<16x288xf32, #tpu.memory_space<vmem>>[vector<16xi32>, vector<16xi32>], vector<16xf32>,
        %swap3A_59 = arith.index_cast %scan3A_57 : i32 to index
        %swap3A_60 = arith.constant 0 : index
        %swap3A_61 = tpu.vector_load %arg11[%swap3A_59, %swap3A_60] {strides = array<i32>} : memref<144x16xf32, #tpu.memory_space<vmem>>, vector<16xf32>,
        tpu.vector_store %arg11[%swap3A_59, %swap3A_60], %gather3A_58 {strides = array<i32>} : memref<144x16xf32, #tpu.memory_space<vmem>>, vector<16xf32>,
        %add3A_62 = arith.constant 144 : i32
        %add3A_63 = vector.broadcast %add3A_62 : i32 to vector<16xi32>
        %add3A_64 = arith.addi %add3A_55, %add3A_63 : vector<16xi32>
        %gather3A_65 = tpu.vector_load_idx %arg8[%add3A_15, %add3A_64] : memref<16x288xf32, #tpu.memory_space<vmem>>[vector<16xi32>, vector<16xi32>], vector<16xf32>,
        %swap3A_66 = arith.index_cast %scan3A_57 : i32 to index
        %swap3A_67 = arith.constant 0 : index
        %swap3A_68 = tpu.vector_load %arg12[%swap3A_66, %swap3A_67] {strides = array<i32>} : memref<144x16xf32, #tpu.memory_space<vmem>>, vector<16xf32>,
        tpu.vector_store %arg12[%swap3A_66, %swap3A_67], %gather3A_65 {strides = array<i32>} : memref<144x16xf32, #tpu.memory_space<vmem>>, vector<16xf32>,
        %gather3A_69 = tpu.vector_load_idx %arg9[%add3A_15, %add3A_55] : memref<16x288xf32, #tpu.memory_space<vmem>>[vector<16xi32>, vector<16xi32>], vector<16xf32>,
        %swap3A_70 = arith.index_cast %scan3A_57 : i32 to index
        %swap3A_71 = arith.constant 0 : index
        %swap3A_72 = tpu.vector_load %arg13[%swap3A_70, %swap3A_71] {strides = array<i32>} : memref<144x16xf32, #tpu.memory_space<vmem>>, vector<16xf32>,
        tpu.vector_store %arg13[%swap3A_70, %swap3A_71], %gather3A_69 {strides = array<i32>} : memref<144x16xf32, #tpu.memory_space<vmem>>, vector<16xf32>,
        %add3A_73 = arith.constant 144 : i32
        %add3A_74 = vector.broadcast %add3A_73 : i32 to vector<16xi32>
        %add3A_75 = arith.addi %add3A_55, %add3A_74 : vector<16xi32>
        %gather3A_76 = tpu.vector_load_idx %arg9[%add3A_15, %add3A_75] : memref<16x288xf32, #tpu.memory_space<vmem>>[vector<16xi32>, vector<16xi32>], vector<16xf32>,
        %swap3A_77 = arith.index_cast %scan3A_57 : i32 to index
        %swap3A_78 = arith.constant 0 : index
        %swap3A_79 = tpu.vector_load %arg14[%swap3A_77, %swap3A_78] {strides = array<i32>} : memref<144x16xf32, #tpu.memory_space<vmem>>, vector<16xf32>,
        tpu.vector_store %arg14[%swap3A_77, %swap3A_78], %gather3A_76 {strides = array<i32>} : memref<144x16xf32, #tpu.memory_space<vmem>>, vector<16xf32>,
        %add3A_80 = arith.constant 1 : i32
        %add3A_81 = vector.broadcast %add3A_80 : i32 to vector<16xi32>
        %add3A_82 = arith.addi %add3A_55, %add3A_81 : vector<16xi32>
        scf.yield %add3A_82 : vector<16xi32>
      }
      %scan3A_21 = arith.constant 144 : i32
      %scan3A_22 = arith.constant 0 : i32
      %scan3A_23 = arith.constant 0 : i32
      %scan3A_24 = arith.constant 2 : i32
      %scan3A_25 = arith.addi %scan3A_23, %scan3A_24 : i32
      %scan3A_26 = arith.constant 1 : i32
      %scan3A_27 = scf.for %scan3A_30 = %scan3A_23 to %scan3A_25 step %scan3A_26 iter_args(%scan3A_31 = %scan3A_22) -> (i32)  : i32 {
        %mul3A_32 = arith.constant 16 : i32
        %mul3A_33 = arith.muli %scan3A_30, %mul3A_32 : i32
        %add3A_34 = vector.broadcast %mul3A_33 : i32 to vector<16xi32>
        %add3A_35 = arith.addi %add3A_34, %iota3A : vector<16xi32>
        %neg3A = arith.constant 0.000000e+00 : f32
        %neg3A_36 = vector.broadcast %neg3A : f32 to vector<16xf32>
        %neg3A_37 = arith.subf %neg3A_36, %broadcast_in_dim3A_5 : vector<16xf32>
        %scan3A_38 = arith.constant 0 : i32
        %scan3A_39 = arith.constant 144 : i32
        %scan3A_40 = arith.addi %scan3A_38, %scan3A_39 : i32
        %scan3A_41 = arith.constant 2 : i32
        %scan3A_42:3 = scf.for %scan3A_61 = %scan3A_38 to %scan3A_40 step %scan3A_41 iter_args(%scan3A_62 = %broadcast_in_dim3A_3, %scan3A_63 = %broadcast_in_dim3A_5, %scan3A_64 = %neg3A_37) -> (vector<16xi32>, vector<16xf32>, vector<16xf32>)  : i32 {
          %gather3A_65 = tpu.vector_load_idx %arg7[%add3A_35, %scan3A_62] : memref<32x144xf32, #tpu.memory_space<vmem>>[vector<16xi32>, vector<16xi32>], vector<16xf32>,
          %get3A = arith.index_cast %scan3A_61 : i32 to index
          %get3A_66 = arith.constant 0 : index
          %get3A_67 = tpu.vector_load %arg11[%get3A, %get3A_66] {strides = array<i32>} : memref<144x16xf32, #tpu.memory_space<vmem>>, vector<16xf32>,
          %add3A_68 = arith.addf %gather3A_65, %get3A_67 : vector<16xf32>
          %get3A_69 = arith.index_cast %scan3A_61 : i32 to index
          %get3A_70 = arith.constant 0 : index
          %get3A_71 = tpu.vector_load %arg12[%get3A_69, %get3A_70] {strides = array<i32>} : memref<144x16xf32, #tpu.memory_space<vmem>>, vector<16xf32>,
          %sub3A = arith.subf %get3A_71, %gather3A_65 : vector<16xf32>
          %swap3A_72 = arith.index_cast %scan3A_61 : i32 to index
          %swap3A_73 = arith.constant 0 : index
          %swap3A_74 = tpu.vector_load %arg15[%swap3A_72, %swap3A_73] {strides = array<i32>} : memref<144x16xf32, #tpu.memory_space<vmem>>, vector<16xf32>,
          tpu.vector_store %arg15[%swap3A_72, %swap3A_73], %add3A_68 {strides = array<i32>} : memref<144x16xf32, #tpu.memory_space<vmem>>, vector<16xf32>,
          %swap3A_75 = arith.index_cast %scan3A_61 : i32 to index
          %swap3A_76 = arith.constant 0 : index
          %swap3A_77 = tpu.vector_load %arg16[%swap3A_75, %swap3A_76] {strides = array<i32>} : memref<144x16xf32, #tpu.memory_space<vmem>>, vector<16xf32>,
          tpu.vector_store %arg16[%swap3A_75, %swap3A_76], %sub3A {strides = array<i32>} : memref<144x16xf32, #tpu.memory_space<vmem>>, vector<16xf32>,
          %min3A = arith.minimumf %add3A_68, %sub3A : vector<16xf32>
          %min3A_78 = arith.minimumf %scan3A_63, %min3A : vector<16xf32>
          %max3A = arith.maximumf %add3A_68, %sub3A : vector<16xf32>
          %max3A_79 = arith.maximumf %scan3A_64, %max3A : vector<16xf32>
          %add3A_80 = arith.constant 1 : i32
          %add3A_81 = vector.broadcast %add3A_80 : i32 to vector<16xi32>
          %add3A_82 = arith.addi %scan3A_62, %add3A_81 : vector<16xi32>
          %scan3A_83 = arith.constant 1 : i32
          %scan3A_84 = arith.addi %scan3A_61, %scan3A_83 : i32
          %gather3A_85 = tpu.vector_load_idx %arg7[%add3A_35, %add3A_82] : memref<32x144xf32, #tpu.memory_space<vmem>>[vector<16xi32>, vector<16xi32>], vector<16xf32>,
          %get3A_86 = arith.index_cast %scan3A_84 : i32 to index
          %get3A_87 = arith.constant 0 : index
          %get3A_88 = tpu.vector_load %arg11[%get3A_86, %get3A_87] {strides = array<i32>} : memref<144x16xf32, #tpu.memory_space<vmem>>, vector<16xf32>,
          %add3A_89 = arith.addf %gather3A_85, %get3A_88 : vector<16xf32>
          %get3A_90 = arith.index_cast %scan3A_84 : i32 to index
          %get3A_91 = arith.constant 0 : index
          %get3A_92 = tpu.vector_load %arg12[%get3A_90, %get3A_91] {strides = array<i32>} : memref<144x16xf32, #tpu.memory_space<vmem>>, vector<16xf32>,
          %sub3A_93 = arith.subf %get3A_92, %gather3A_85 : vector<16xf32>
          %swap3A_94 = arith.index_cast %scan3A_84 : i32 to index
          %swap3A_95 = arith.constant 0 : index
          %swap3A_96 = tpu.vector_load %arg15[%swap3A_94, %swap3A_95] {strides = array<i32>} : memref<144x16xf32, #tpu.memory_space<vmem>>, vector<16xf32>,
          tpu.vector_store %arg15[%swap3A_94, %swap3A_95], %add3A_89 {strides = array<i32>} : memref<144x16xf32, #tpu.memory_space<vmem>>, vector<16xf32>,
          %swap3A_97 = arith.index_cast %scan3A_84 : i32 to index
          %swap3A_98 = arith.constant 0 : index
          %swap3A_99 = tpu.vector_load %arg16[%swap3A_97, %swap3A_98] {strides = array<i32>} : memref<144x16xf32, #tpu.memory_space<vmem>>, vector<16xf32>,
          tpu.vector_store %arg16[%swap3A_97, %swap3A_98], %sub3A_93 {strides = array<i32>} : memref<144x16xf32, #tpu.memory_space<vmem>>, vector<16xf32>,
          %min3A_100 = arith.minimumf %add3A_89, %sub3A_93 : vector<16xf32>
          %min3A_101 = arith.minimumf %min3A_78, %min3A_100 : vector<16xf32>
          %max3A_102 = arith.maximumf %add3A_89, %sub3A_93 : vector<16xf32>
          %max3A_103 = arith.maximumf %max3A_79, %max3A_102 : vector<16xf32>
          %add3A_104 = arith.constant 1 : i32
          %add3A_105 = vector.broadcast %add3A_104 : i32 to vector<16xi32>
          %add3A_106 = arith.addi %add3A_82, %add3A_105 : vector<16xi32>
          scf.yield %add3A_106, %min3A_101, %max3A_103 : vector<16xi32>, vector<16xf32>, vector<16xf32>
        }
        %scan3A_43 = arith.constant 144 : i32
        %scan3A_44 = arith.constant 0 : i32
        %scan3A_45 = arith.constant 16 : i32
        %scan3A_46 = arith.addi %scan3A_44, %scan3A_45 : i32
        %scan3A_47 = arith.constant 1 : i32
        %scan3A_48:2 = scf.for %scan3A_61 = %scan3A_44 to %scan3A_46 step %scan3A_47 iter_args(%scan3A_62 = %scan3A_42#1, %scan3A_63 = %scan3A_42#2) -> (vector<16xf32>, vector<16xf32>)  : i32 {
          %add3A_64 = arith.addf %scan3A_62, %scan3A_63 : vector<16xf32>
          %mul3A_65 = arith.constant 5.000000e-01 : f32
          %mul3A_66 = vector.broadcast %mul3A_65 : f32 to vector<16xf32>
          %mul3A_67 = arith.mulf %mul3A_66, %add3A_64 : vector<16xf32>
          %scan3A_68 = arith.constant 0 : i32
          %scan3A_69 = arith.constant 36 : i32
          %scan3A_70 = arith.addi %scan3A_68, %scan3A_69 : i32
          %scan3A_71 = arith.constant 1 : i32
          %scan3A_72 = scf.for %scan3A_75 = %scan3A_68 to %scan3A_70 step %scan3A_71 iter_args(%scan3A_76 = %broadcast_in_dim3A_1) -> (vector<16xf32>)  : i32 {
            %mul3A_77 = arith.constant 4 : i32
            %mul3A_78 = arith.muli %scan3A_75, %mul3A_77 : i32
            %add3A_79 = arith.constant 0 : i32
            %add3A_80 = arith.addi %mul3A_78, %add3A_79 : i32
            %get3A = arith.index_cast %add3A_80 : i32 to index
            %get3A_81 = arith.constant 0 : index
            %get3A_82 = tpu.vector_load %arg15[%get3A, %get3A_81] {strides = array<i32>} : memref<144x16xf32, #tpu.memory_space<vmem>>, vector<16xf32>,
            %ge3A = arith.cmpf oge, %get3A_82, %mul3A_67 : vector<16xf32>
            %add3A_83 = arith.constant 0 : i32
            %add3A_84 = arith.addi %mul3A_78, %add3A_83 : i32
            %get3A_85 = arith.index_cast %add3A_84 : i32 to index
            %get3A_86 = arith.constant 0 : index
            %get3A_87 = tpu.vector_load %arg13[%get3A_85, %get3A_86] {strides = array<i32>} : memref<144x16xf32, #tpu.memory_space<vmem>>, vector<16xf32>,
            %select_n3A_88 = arith.select %ge3A, %get3A_87, %broadcast_in_dim3A_1 : vector<16xi1>, vector<16xf32>
            %add3A_89 = arith.addf %scan3A_76, %select_n3A_88 : vector<16xf32>
            %add3A_90 = arith.constant 0 : i32
            %add3A_91 = arith.addi %mul3A_78, %add3A_90 : i32
            %get3A_92 = arith.index_cast %add3A_91 : i32 to index
            %get3A_93 = arith.constant 0 : index
            %get3A_94 = tpu.vector_load %arg16[%get3A_92, %get3A_93] {strides = array<i32>} : memref<144x16xf32, #tpu.memory_space<vmem>>, vector<16xf32>,
            %ge3A_95 = arith.cmpf oge, %get3A_94, %mul3A_67 : vector<16xf32>
            %add3A_96 = arith.constant 0 : i32
            %add3A_97 = arith.addi %mul3A_78, %add3A_96 : i32
            %get3A_98 = arith.index_cast %add3A_97 : i32 to index
            %get3A_99 = arith.constant 0 : index
            %get3A_100 = tpu.vector_load %arg14[%get3A_98, %get3A_99] {strides = array<i32>} : memref<144x16xf32, #tpu.memory_space<vmem>>, vector<16xf32>,
            %select_n3A_101 = arith.select %ge3A_95, %get3A_100, %broadcast_in_dim3A_1 : vector<16xi1>, vector<16xf32>
            %add3A_102 = arith.addf %add3A_89, %select_n3A_101 : vector<16xf32>
            %add3A_103 = arith.constant 1 : i32
            %add3A_104 = arith.addi %mul3A_78, %add3A_103 : i32
            %get3A_105 = arith.index_cast %add3A_104 : i32 to index
            %get3A_106 = arith.constant 0 : index
            %get3A_107 = tpu.vector_load %arg15[%get3A_105, %get3A_106] {strides = array<i32>} : memref<144x16xf32, #tpu.memory_space<vmem>>, vector<16xf32>,
            %ge3A_108 = arith.cmpf oge, %get3A_107, %mul3A_67 : vector<16xf32>
            %add3A_109 = arith.constant 1 : i32
            %add3A_110 = arith.addi %mul3A_78, %add3A_109 : i32
            %get3A_111 = arith.index_cast %add3A_110 : i32 to index
            %get3A_112 = arith.constant 0 : index
            %get3A_113 = tpu.vector_load %arg13[%get3A_111, %get3A_112] {strides = array<i32>} : memref<144x16xf32, #tpu.memory_space<vmem>>, vector<16xf32>,
            %select_n3A_114 = arith.select %ge3A_108, %get3A_113, %broadcast_in_dim3A_1 : vector<16xi1>, vector<16xf32>
            %add3A_115 = arith.addf %add3A_102, %select_n3A_114 : vector<16xf32>
            %add3A_116 = arith.constant 1 : i32
            %add3A_117 = arith.addi %mul3A_78, %add3A_116 : i32
            %get3A_118 = arith.index_cast %add3A_117 : i32 to index
            %get3A_119 = arith.constant 0 : index
            %get3A_120 = tpu.vector_load %arg16[%get3A_118, %get3A_119] {strides = array<i32>} : memref<144x16xf32, #tpu.memory_space<vmem>>, vector<16xf32>,
            %ge3A_121 = arith.cmpf oge, %get3A_120, %mul3A_67 : vector<16xf32>
            %add3A_122 = arith.constant 1 : i32
            %add3A_123 = arith.addi %mul3A_78, %add3A_122 : i32
            %get3A_124 = arith.index_cast %add3A_123 : i32 to index
            %get3A_125 = arith.constant 0 : index
            %get3A_126 = tpu.vector_load %arg14[%get3A_124, %get3A_125] {strides = array<i32>} : memref<144x16xf32, #tpu.memory_space<vmem>>, vector<16xf32>,
            %select_n3A_127 = arith.select %ge3A_121, %get3A_126, %broadcast_in_dim3A_1 : vector<16xi1>, vector<16xf32>
            %add3A_128 = arith.addf %add3A_115, %select_n3A_127 : vector<16xf32>
            %add3A_129 = arith.constant 2 : i32
            %add3A_130 = arith.addi %mul3A_78, %add3A_129 : i32
            %get3A_131 = arith.index_cast %add3A_130 : i32 to index
            %get3A_132 = arith.constant 0 : index
            %get3A_133 = tpu.vector_load %arg15[%get3A_131, %get3A_132] {strides = array<i32>} : memref<144x16xf32, #tpu.memory_space<vmem>>, vector<16xf32>,
            %ge3A_134 = arith.cmpf oge, %get3A_133, %mul3A_67 : vector<16xf32>
            %add3A_135 = arith.constant 2 : i32
            %add3A_136 = arith.addi %mul3A_78, %add3A_135 : i32
            %get3A_137 = arith.index_cast %add3A_136 : i32 to index
            %get3A_138 = arith.constant 0 : index
            %get3A_139 = tpu.vector_load %arg13[%get3A_137, %get3A_138] {strides = array<i32>} : memref<144x16xf32, #tpu.memory_space<vmem>>, vector<16xf32>,
            %select_n3A_140 = arith.select %ge3A_134, %get3A_139, %broadcast_in_dim3A_1 : vector<16xi1>, vector<16xf32>
            %add3A_141 = arith.addf %add3A_128, %select_n3A_140 : vector<16xf32>
            %add3A_142 = arith.constant 2 : i32
            %add3A_143 = arith.addi %mul3A_78, %add3A_142 : i32
            %get3A_144 = arith.index_cast %add3A_143 : i32 to index
            %get3A_145 = arith.constant 0 : index
            %get3A_146 = tpu.vector_load %arg16[%get3A_144, %get3A_145] {strides = array<i32>} : memref<144x16xf32, #tpu.memory_space<vmem>>, vector<16xf32>,
            %ge3A_147 = arith.cmpf oge, %get3A_146, %mul3A_67 : vector<16xf32>
            %add3A_148 = arith.constant 2 : i32
            %add3A_149 = arith.addi %mul3A_78, %add3A_148 : i32
            %get3A_150 = arith.index_cast %add3A_149 : i32 to index
            %get3A_151 = arith.constant 0 : index
            %get3A_152 = tpu.vector_load %arg14[%get3A_150, %get3A_151] {strides = array<i32>} : memref<144x16xf32, #tpu.memory_space<vmem>>, vector<16xf32>,
            %select_n3A_153 = arith.select %ge3A_147, %get3A_152, %broadcast_in_dim3A_1 : vector<16xi1>, vector<16xf32>
            %add3A_154 = arith.addf %add3A_141, %select_n3A_153 : vector<16xf32>
            %add3A_155 = arith.constant 3 : i32
            %add3A_156 = arith.addi %mul3A_78, %add3A_155 : i32
            %get3A_157 = arith.index_cast %add3A_156 : i32 to index
            %get3A_158 = arith.constant 0 : index
            %get3A_159 = tpu.vector_load %arg15[%get3A_157, %get3A_158] {strides = array<i32>} : memref<144x16xf32, #tpu.memory_space<vmem>>, vector<16xf32>,
            %ge3A_160 = arith.cmpf oge, %get3A_159, %mul3A_67 : vector<16xf32>
            %add3A_161 = arith.constant 3 : i32
            %add3A_162 = arith.addi %mul3A_78, %add3A_161 : i32
            %get3A_163 = arith.index_cast %add3A_162 : i32 to index
            %get3A_164 = arith.constant 0 : index
            %get3A_165 = tpu.vector_load %arg13[%get3A_163, %get3A_164] {strides = array<i32>} : memref<144x16xf32, #tpu.memory_space<vmem>>, vector<16xf32>,
            %select_n3A_166 = arith.select %ge3A_160, %get3A_165, %broadcast_in_dim3A_1 : vector<16xi1>, vector<16xf32>
            %add3A_167 = arith.addf %add3A_154, %select_n3A_166 : vector<16xf32>
            %add3A_168 = arith.constant 3 : i32
            %add3A_169 = arith.addi %mul3A_78, %add3A_168 : i32
            %get3A_170 = arith.index_cast %add3A_169 : i32 to index
            %get3A_171 = arith.constant 0 : index
            %get3A_172 = tpu.vector_load %arg16[%get3A_170, %get3A_171] {strides = array<i32>} : memref<144x16xf32, #tpu.memory_space<vmem>>, vector<16xf32>,
            %ge3A_173 = arith.cmpf oge, %get3A_172, %mul3A_67 : vector<16xf32>
            %add3A_174 = arith.constant 3 : i32
            %add3A_175 = arith.addi %mul3A_78, %add3A_174 : i32
            %get3A_176 = arith.index_cast %add3A_175 : i32 to index
            %get3A_177 = arith.constant 0 : index
            %get3A_178 = tpu.vector_load %arg14[%get3A_176, %get3A_177] {strides = array<i32>} : memref<144x16xf32, #tpu.memory_space<vmem>>, vector<16xf32>,
            %select_n3A_179 = arith.select %ge3A_173, %get3A_178, %broadcast_in_dim3A_1 : vector<16xi1>, vector<16xf32>
            %add3A_180 = arith.addf %add3A_167, %select_n3A_179 : vector<16xf32>
            scf.yield %add3A_180 : vector<16xf32>
          }
          %scan3A_73 = arith.constant 36 : i32
          %le3A = arith.cmpf ole, %scan3A_72, %gather3A : vector<16xf32>
          %select_n3A = arith.select %le3A, %scan3A_62, %mul3A_67 : vector<16xi1>, vector<16xf32>
          %select_n3A_74 = arith.select %le3A, %mul3A_67, %scan3A_63 : vector<16xi1>, vector<16xf32>
          scf.yield %select_n3A, %select_n3A_74 : vector<16xf32>, vector<16xf32>
        }
        %scan3A_49 = arith.constant 16 : i32
        %scan3A_50 = arith.constant 0 : i32
        %scan3A_51 = arith.constant 36 : i32
        %scan3A_52 = arith.addi %scan3A_50, %scan3A_51 : i32
        %scan3A_53 = arith.constant 1 : i32
        %scan3A_54 = scf.for %scan3A_61 = %scan3A_50 to %scan3A_52 step %scan3A_53 iter_args(%scan3A_62 = %broadcast_in_dim3A_5) -> (vector<16xf32>)  : i32 {
          %mul3A_63 = arith.constant 4 : i32
          %mul3A_64 = arith.muli %scan3A_61, %mul3A_63 : i32
          %add3A_65 = arith.constant 0 : i32
          %add3A_66 = arith.addi %mul3A_64, %add3A_65 : i32
          %get3A = arith.index_cast %add3A_66 : i32 to index
          %get3A_67 = arith.constant 0 : index
          %get3A_68 = tpu.vector_load %arg15[%get3A, %get3A_67] {strides = array<i32>} : memref<144x16xf32, #tpu.memory_space<vmem>>, vector<16xf32>,
          %add3A_69 = arith.constant 0 : i32
          %add3A_70 = arith.addi %mul3A_64, %add3A_69 : i32
          %get3A_71 = arith.index_cast %add3A_70 : i32 to index
          %get3A_72 = arith.constant 0 : index
          %get3A_73 = tpu.vector_load %arg16[%get3A_71, %get3A_72] {strides = array<i32>} : memref<144x16xf32, #tpu.memory_space<vmem>>, vector<16xf32>,
          %ge3A = arith.cmpf oge, %get3A_68, %scan3A_48#1 : vector<16xf32>
          %select_n3A = arith.select %ge3A, %get3A_68, %broadcast_in_dim3A_5 : vector<16xi1>, vector<16xf32>
          %min3A = arith.minimumf %scan3A_62, %select_n3A : vector<16xf32>
          %ge3A_74 = arith.cmpf oge, %get3A_73, %scan3A_48#1 : vector<16xf32>
          %select_n3A_75 = arith.select %ge3A_74, %get3A_73, %broadcast_in_dim3A_5 : vector<16xi1>, vector<16xf32>
          %min3A_76 = arith.minimumf %min3A, %select_n3A_75 : vector<16xf32>
          %add3A_77 = arith.constant 1 : i32
          %add3A_78 = arith.addi %mul3A_64, %add3A_77 : i32
          %get3A_79 = arith.index_cast %add3A_78 : i32 to index
          %get3A_80 = arith.constant 0 : index
          %get3A_81 = tpu.vector_load %arg15[%get3A_79, %get3A_80] {strides = array<i32>} : memref<144x16xf32, #tpu.memory_space<vmem>>, vector<16xf32>,
          %add3A_82 = arith.constant 1 : i32
          %add3A_83 = arith.addi %mul3A_64, %add3A_82 : i32
          %get3A_84 = arith.index_cast %add3A_83 : i32 to index
          %get3A_85 = arith.constant 0 : index
          %get3A_86 = tpu.vector_load %arg16[%get3A_84, %get3A_85] {strides = array<i32>} : memref<144x16xf32, #tpu.memory_space<vmem>>, vector<16xf32>,
          %ge3A_87 = arith.cmpf oge, %get3A_81, %scan3A_48#1 : vector<16xf32>
          %select_n3A_88 = arith.select %ge3A_87, %get3A_81, %broadcast_in_dim3A_5 : vector<16xi1>, vector<16xf32>
          %min3A_89 = arith.minimumf %min3A_76, %select_n3A_88 : vector<16xf32>
          %ge3A_90 = arith.cmpf oge, %get3A_86, %scan3A_48#1 : vector<16xf32>
          %select_n3A_91 = arith.select %ge3A_90, %get3A_86, %broadcast_in_dim3A_5 : vector<16xi1>, vector<16xf32>
          %min3A_92 = arith.minimumf %min3A_89, %select_n3A_91 : vector<16xf32>
          %add3A_93 = arith.constant 2 : i32
          %add3A_94 = arith.addi %mul3A_64, %add3A_93 : i32
          %get3A_95 = arith.index_cast %add3A_94 : i32 to index
          %get3A_96 = arith.constant 0 : index
          %get3A_97 = tpu.vector_load %arg15[%get3A_95, %get3A_96] {strides = array<i32>} : memref<144x16xf32, #tpu.memory_space<vmem>>, vector<16xf32>,
          %add3A_98 = arith.constant 2 : i32
          %add3A_99 = arith.addi %mul3A_64, %add3A_98 : i32
          %get3A_100 = arith.index_cast %add3A_99 : i32 to index
          %get3A_101 = arith.constant 0 : index
          %get3A_102 = tpu.vector_load %arg16[%get3A_100, %get3A_101] {strides = array<i32>} : memref<144x16xf32, #tpu.memory_space<vmem>>, vector<16xf32>,
          %ge3A_103 = arith.cmpf oge, %get3A_97, %scan3A_48#1 : vector<16xf32>
          %select_n3A_104 = arith.select %ge3A_103, %get3A_97, %broadcast_in_dim3A_5 : vector<16xi1>, vector<16xf32>
          %min3A_105 = arith.minimumf %min3A_92, %select_n3A_104 : vector<16xf32>
          %ge3A_106 = arith.cmpf oge, %get3A_102, %scan3A_48#1 : vector<16xf32>
          %select_n3A_107 = arith.select %ge3A_106, %get3A_102, %broadcast_in_dim3A_5 : vector<16xi1>, vector<16xf32>
          %min3A_108 = arith.minimumf %min3A_105, %select_n3A_107 : vector<16xf32>
          %add3A_109 = arith.constant 3 : i32
          %add3A_110 = arith.addi %mul3A_64, %add3A_109 : i32
          %get3A_111 = arith.index_cast %add3A_110 : i32 to index
          %get3A_112 = arith.constant 0 : index
          %get3A_113 = tpu.vector_load %arg15[%get3A_111, %get3A_112] {strides = array<i32>} : memref<144x16xf32, #tpu.memory_space<vmem>>, vector<16xf32>,
          %add3A_114 = arith.constant 3 : i32
          %add3A_115 = arith.addi %mul3A_64, %add3A_114 : i32
          %get3A_116 = arith.index_cast %add3A_115 : i32 to index
          %get3A_117 = arith.constant 0 : index
          %get3A_118 = tpu.vector_load %arg16[%get3A_116, %get3A_117] {strides = array<i32>} : memref<144x16xf32, #tpu.memory_space<vmem>>, vector<16xf32>,
          %ge3A_119 = arith.cmpf oge, %get3A_113, %scan3A_48#1 : vector<16xf32>
          %select_n3A_120 = arith.select %ge3A_119, %get3A_113, %broadcast_in_dim3A_5 : vector<16xi1>, vector<16xf32>
          %min3A_121 = arith.minimumf %min3A_108, %select_n3A_120 : vector<16xf32>
          %ge3A_122 = arith.cmpf oge, %get3A_118, %scan3A_48#1 : vector<16xf32>
          %select_n3A_123 = arith.select %ge3A_122, %get3A_118, %broadcast_in_dim3A_5 : vector<16xi1>, vector<16xf32>
          %min3A_124 = arith.minimumf %min3A_121, %select_n3A_123 : vector<16xf32>
          scf.yield %min3A_124 : vector<16xf32>
        }
        %scan3A_55 = arith.constant 36 : i32
        %mul3A_56 = arith.constant 16 : i32
        %mul3A_57 = arith.muli %scan3A_30, %mul3A_56 : i32
        %swap3A = arith.index_cast %scan3A_12 : i32 to index
        %swap3A_58 = arith.index_cast %mul3A_57 : i32 to index
        %swap3A_59 = tpu.vector_load %arg17[%swap3A, %swap3A_58] {strides = array<i32>} : memref<16x32xf32, #tpu.memory_space<vmem>>, vector<16xf32>,
        tpu.vector_store %arg17[%swap3A, %swap3A_58], %scan3A_54 {strides = array<i32>} : memref<16x32xf32, #tpu.memory_space<vmem>>, vector<16xf32>,
        %scan3A_60 = arith.constant 0 : i32
        scf.yield %scan3A_60 : i32
      }
      %scan3A_28 = arith.constant 2 : i32
      %scan3A_29 = arith.constant 0 : i32
      scf.yield %scan3A_29 : i32
    }
    %scan3A_11 = arith.constant 16 : i32
    "tpu.region"() ({
      %run_scoped3A = tpu.sem_alloc : memref<!tpu.dma_semaphore, #tpu.memory_space<semaphore_mem>>
      %dma_start3A = arith.constant 0 : i32
      %dma_start3A_12 = arith.constant 0 : i32
      %dma_start3A_13 = tpu.memref_slice %arg6[%add3A, %dma_start3A, %dma_start3A_12] : memref<32x16x32xf32, #tpu.memory_space<hbm>> -> memref<1x16x32xf32, #tpu.memory_space<hbm>>
      %dma_start3A_14 = tpu.memref_squeeze %dma_start3A_13 : memref<1x16x32xf32, #tpu.memory_space<hbm>> -> memref<16x32xf32, #tpu.memory_space<hbm>>
      %dma_start3A_15 = arith.constant 0 : i32
      %dma_start3A_16 = arith.constant 0 : i32
      %dma_start3A_17 = tpu.memref_slice %arg6[%add3A, %dma_start3A_15, %dma_start3A_16] : memref<32x16x32xf32, #tpu.memory_space<hbm>> -> memref<1x16x32xf32, #tpu.memory_space<hbm>>
      %dma_start3A_18 = tpu.memref_squeeze %dma_start3A_17 : memref<1x16x32xf32, #tpu.memory_space<hbm>> -> memref<16x32xf32, #tpu.memory_space<hbm>>
      tpu.enqueue_dma source(%arg17 : memref<16x32xf32, #tpu.memory_space<vmem>>) target(%dma_start3A_18 : memref<16x32xf32, #tpu.memory_space<hbm>>) target_semaphore(%run_scoped3A : memref<!tpu.dma_semaphore, #tpu.memory_space<semaphore_mem>>)
      %dma_wait3A = arith.constant 0 : i32
      %dma_wait3A_19 = arith.constant 0 : i32
      %dma_wait3A_20 = tpu.memref_slice %arg6[%add3A, %dma_wait3A, %dma_wait3A_19] : memref<32x16x32xf32, #tpu.memory_space<hbm>> -> memref<1x16x32xf32, #tpu.memory_space<hbm>>
      %dma_wait3A_21 = tpu.memref_squeeze %dma_wait3A_20 : memref<1x16x32xf32, #tpu.memory_space<hbm>> -> memref<16x32xf32, #tpu.memory_space<hbm>>
      %dma_wait3A_22 = arith.constant 0 : i32
      %dma_wait3A_23 = arith.constant 0 : i32
      %dma_wait3A_24 = tpu.memref_slice %arg6[%add3A, %dma_wait3A_22, %dma_wait3A_23] : memref<32x16x32xf32, #tpu.memory_space<hbm>> -> memref<1x16x32xf32, #tpu.memory_space<hbm>>
      %dma_wait3A_25 = tpu.memref_squeeze %dma_wait3A_24 : memref<1x16x32xf32, #tpu.memory_space<hbm>> -> memref<16x32xf32, #tpu.memory_space<hbm>>
      tpu.wait_dma2 semaphore(%run_scoped3A : memref<!tpu.dma_semaphore, #tpu.memory_space<semaphore_mem>>) src(%arg17 : memref<16x32xf32, #tpu.memory_space<vmem>>) dst(%dma_wait3A_25 : memref<16x32xf32, #tpu.memory_space<hbm>>)
      tpu.yield
    }) : () -> ()
    return
  }
}

module attributes {stable_mosaic.version = 14 : i64} {
  func.func @_tc_body(%arg0: i32, %arg1: i32, %arg2: memref<144x128xf32, #tpu.memory_space<vmem>>, %arg3: memref<1x144x1xf32, #tpu.memory_space<vmem>>, %arg4: memref<1x144x1xf32, #tpu.memory_space<vmem>>, %arg5: memref<1x144x1xf32, #tpu.memory_space<vmem>>, %arg6: memref<1x144x1xf32, #tpu.memory_space<vmem>>, %arg7: memref<16x1xf32, #tpu.memory_space<smem>>, %arg8: memref<1x1x128xf32, #tpu.memory_space<vmem>>) attributes {dimension_semantics = [#tpu.dimension_semantics<arbitrary>, #tpu.dimension_semantics<arbitrary>], iteration_bounds = array<i64: 41, 16>, scalar_prefetch = 0 : i64, scratch_operands = 0 : i64, tpu.core_type = #tpu.core_type<tc>, window_params = [{transform_indices = @transform_0, window_bounds = array<i64: 144, 128>}, {transform_indices = @transform_1, window_bounds = array<i64: 1, 144, 1>}, {transform_indices = @transform_2, window_bounds = array<i64: 1, 144, 1>}, {transform_indices = @transform_3, window_bounds = array<i64: 1, 144, 1>}, {transform_indices = @transform_4, window_bounds = array<i64: 1, 144, 1>}, {transform_indices = @transform_5, window_bounds = array<i64: 16, 1>}, {transform_indices = @transform_6, window_bounds = array<i64: 1, 1, 128>}]} {
    %get3A = arith.constant 0 : index
    %get3A_0 = arith.constant 0 : index
    %get3A_1 = vector.load %arg2[%get3A, %get3A_0] : memref<144x128xf32, #tpu.memory_space<vmem>>, vector<144x128xf32>
    %get3A_2 = arith.constant 0 : index
    %get3A_3 = arith.constant 0 : index
    %get3A_4 = arith.constant 0 : index
    %get3A_5 = vector.load %arg3[%get3A_2, %get3A_3, %get3A_4] : memref<1x144x1xf32, #tpu.memory_space<vmem>>, vector<1x144x1xf32>
    %get3A_6 = vector.shape_cast %get3A_5 : vector<1x144x1xf32> to vector<144x1xf32>
    %get3A_7 = arith.constant 0 : index
    %get3A_8 = arith.constant 0 : index
    %get3A_9 = arith.constant 0 : index
    %get3A_10 = vector.load %arg4[%get3A_7, %get3A_8, %get3A_9] : memref<1x144x1xf32, #tpu.memory_space<vmem>>, vector<1x144x1xf32>
    %get3A_11 = vector.shape_cast %get3A_10 : vector<1x144x1xf32> to vector<144x1xf32>
    %get3A_12 = arith.constant 0 : index
    %get3A_13 = arith.constant 0 : index
    %get3A_14 = arith.constant 0 : index
    %get3A_15 = vector.load %arg5[%get3A_12, %get3A_13, %get3A_14] : memref<1x144x1xf32, #tpu.memory_space<vmem>>, vector<1x144x1xf32>
    %get3A_16 = vector.shape_cast %get3A_15 : vector<1x144x1xf32> to vector<144x1xf32>
    %get3A_17 = arith.constant 0 : index
    %get3A_18 = arith.constant 0 : index
    %get3A_19 = arith.constant 0 : index
    %get3A_20 = vector.load %arg6[%get3A_17, %get3A_18, %get3A_19] : memref<1x144x1xf32, #tpu.memory_space<vmem>>, vector<1x144x1xf32>
    %get3A_21 = vector.shape_cast %get3A_20 : vector<1x144x1xf32> to vector<144x1xf32>
    %get3A_22 = arith.index_cast %arg1 : i32 to index
    %get3A_23 = arith.constant 0 : index
    %get3A_24 = memref.load %arg7[%get3A_22, %get3A_23] : memref<16x1xf32, #tpu.memory_space<smem>>
    %add3A = vector.broadcast %get3A_6 : vector<144x1xf32> to vector<144x128xf32>
    %add3A_25 = arith.addf %get3A_1, %add3A : vector<144x128xf32>
    %sub3A = vector.broadcast %get3A_11 : vector<144x1xf32> to vector<144x128xf32>
    %sub3A_26 = arith.subf %sub3A, %get3A_1 : vector<144x128xf32>
    %reduce_max3A = arith.constant dense<0xFF800000> : vector<128xf32>
    %reduce_max3A_27 = vector.multi_reduction <maximumf>, %add3A_25, %reduce_max3A [0] : vector<144x128xf32> to vector<128xf32>
    %broadcast_in_dim3A = vector.shape_cast %reduce_max3A_27 : vector<128xf32> to vector<1x128xf32>
    %reduce_max3A_28 = arith.constant dense<0xFF800000> : vector<128xf32>
    %reduce_max3A_29 = vector.multi_reduction <maximumf>, %sub3A_26, %reduce_max3A_28 [0] : vector<144x128xf32> to vector<128xf32>
    %broadcast_in_dim3A_30 = vector.shape_cast %reduce_max3A_29 : vector<128xf32> to vector<1x128xf32>
    %max3A = arith.maximumf %broadcast_in_dim3A, %broadcast_in_dim3A_30 : vector<1x128xf32>
    %reduce_min3A = arith.constant dense<0x7F800000> : vector<128xf32>
    %reduce_min3A_31 = vector.multi_reduction <minimumf>, %add3A_25, %reduce_min3A [0] : vector<144x128xf32> to vector<128xf32>
    %broadcast_in_dim3A_32 = vector.shape_cast %reduce_min3A_31 : vector<128xf32> to vector<1x128xf32>
    %reduce_min3A_33 = arith.constant dense<0x7F800000> : vector<128xf32>
    %reduce_min3A_34 = vector.multi_reduction <minimumf>, %sub3A_26, %reduce_min3A_33 [0] : vector<144x128xf32> to vector<128xf32>
    %broadcast_in_dim3A_35 = vector.shape_cast %reduce_min3A_34 : vector<128xf32> to vector<1x128xf32>
    %min3A = arith.minimumf %broadcast_in_dim3A_32, %broadcast_in_dim3A_35 : vector<1x128xf32>
    %scan3A = arith.constant 0 : i32
    %scan3A_36 = arith.constant 16 : i32
    %scan3A_37 = arith.addi %scan3A, %scan3A_36 : i32
    %scan3A_38 = arith.constant 1 : i32
    %scan3A_39:2 = scf.for %scan3A_61 = %scan3A to %scan3A_37 step %scan3A_38 iter_args(%scan3A_62 = %min3A, %scan3A_63 = %max3A) -> (vector<1x128xf32>, vector<1x128xf32>)  : i32 {
      %add3A_64 = arith.addf %scan3A_62, %scan3A_63 : vector<1x128xf32>
      %mul3A = arith.constant 5.000000e-01 : f32
      %mul3A_65 = vector.broadcast %mul3A : f32 to vector<1x128xf32>
      %mul3A_66 = arith.mulf %mul3A_65, %add3A_64 : vector<1x128xf32>
      %slice3A = vector.extract_strided_slice %add3A_25 {offsets = [0, 0], sizes = [72, 128], strides = [1, 1]} : vector<144x128xf32> to vector<72x128xf32>
      %ge3A_67 = vector.broadcast %mul3A_66 : vector<1x128xf32> to vector<72x128xf32>
      %ge3A_68 = arith.cmpf oge, %slice3A, %ge3A_67 : vector<72x128xf32>
      %slice3A_69 = vector.extract_strided_slice %get3A_16 {offsets = [0, 0], sizes = [72, 1], strides = [1, 1]} : vector<144x1xf32> to vector<72x1xf32>
      %jit3A_70 = arith.constant 0.000000e+00 : f32
      %broadcast_in_dim3A_71 = vector.shape_cast %slice3A_69 : vector<72x1xf32> to vector<72x1xf32>
      %broadcast_in_dim3A_72 = vector.broadcast %broadcast_in_dim3A_71 : vector<72x1xf32> to vector<72x128xf32>
      %broadcast_in_dim3A_73 = vector.broadcast %jit3A_70 : f32 to vector<72x128xf32>
      %select_n3A_74 = arith.select %ge3A_68, %broadcast_in_dim3A_72, %broadcast_in_dim3A_73 : vector<72x128xi1>, vector<72x128xf32>
      %reduce_sum3A = arith.constant dense<0.000000e+00> : vector<128xf32>
      %reduce_sum3A_75 = vector.multi_reduction <add>, %select_n3A_74, %reduce_sum3A [0] : vector<72x128xf32> to vector<128xf32>
      %broadcast_in_dim3A_76 = vector.shape_cast %reduce_sum3A_75 : vector<128xf32> to vector<1x128xf32>
      %slice3A_77 = vector.extract_strided_slice %add3A_25 {offsets = [72, 0], sizes = [72, 128], strides = [1, 1]} : vector<144x128xf32> to vector<72x128xf32>
      %ge3A_78 = vector.broadcast %mul3A_66 : vector<1x128xf32> to vector<72x128xf32>
      %ge3A_79 = arith.cmpf oge, %slice3A_77, %ge3A_78 : vector<72x128xf32>
      %slice3A_80 = vector.extract_strided_slice %get3A_16 {offsets = [72, 0], sizes = [72, 1], strides = [1, 1]} : vector<144x1xf32> to vector<72x1xf32>
      %jit3A_81 = arith.constant 0.000000e+00 : f32
      %broadcast_in_dim3A_82 = vector.shape_cast %slice3A_80 : vector<72x1xf32> to vector<72x1xf32>
      %broadcast_in_dim3A_83 = vector.broadcast %broadcast_in_dim3A_82 : vector<72x1xf32> to vector<72x128xf32>
      %broadcast_in_dim3A_84 = vector.broadcast %jit3A_81 : f32 to vector<72x128xf32>
      %select_n3A_85 = arith.select %ge3A_79, %broadcast_in_dim3A_83, %broadcast_in_dim3A_84 : vector<72x128xi1>, vector<72x128xf32>
      %reduce_sum3A_86 = arith.constant dense<0.000000e+00> : vector<128xf32>
      %reduce_sum3A_87 = vector.multi_reduction <add>, %select_n3A_85, %reduce_sum3A_86 [0] : vector<72x128xf32> to vector<128xf32>
      %broadcast_in_dim3A_88 = vector.shape_cast %reduce_sum3A_87 : vector<128xf32> to vector<1x128xf32>
      %add3A_89 = arith.addf %broadcast_in_dim3A_76, %broadcast_in_dim3A_88 : vector<1x128xf32>
      %slice3A_90 = vector.extract_strided_slice %sub3A_26 {offsets = [0, 0], sizes = [72, 128], strides = [1, 1]} : vector<144x128xf32> to vector<72x128xf32>
      %ge3A_91 = vector.broadcast %mul3A_66 : vector<1x128xf32> to vector<72x128xf32>
      %ge3A_92 = arith.cmpf oge, %slice3A_90, %ge3A_91 : vector<72x128xf32>
      %slice3A_93 = vector.extract_strided_slice %get3A_21 {offsets = [0, 0], sizes = [72, 1], strides = [1, 1]} : vector<144x1xf32> to vector<72x1xf32>
      %jit3A_94 = arith.constant 0.000000e+00 : f32
      %broadcast_in_dim3A_95 = vector.shape_cast %slice3A_93 : vector<72x1xf32> to vector<72x1xf32>
      %broadcast_in_dim3A_96 = vector.broadcast %broadcast_in_dim3A_95 : vector<72x1xf32> to vector<72x128xf32>
      %broadcast_in_dim3A_97 = vector.broadcast %jit3A_94 : f32 to vector<72x128xf32>
      %select_n3A_98 = arith.select %ge3A_92, %broadcast_in_dim3A_96, %broadcast_in_dim3A_97 : vector<72x128xi1>, vector<72x128xf32>
      %reduce_sum3A_99 = arith.constant dense<0.000000e+00> : vector<128xf32>
      %reduce_sum3A_100 = vector.multi_reduction <add>, %select_n3A_98, %reduce_sum3A_99 [0] : vector<72x128xf32> to vector<128xf32>
      %broadcast_in_dim3A_101 = vector.shape_cast %reduce_sum3A_100 : vector<128xf32> to vector<1x128xf32>
      %slice3A_102 = vector.extract_strided_slice %sub3A_26 {offsets = [72, 0], sizes = [72, 128], strides = [1, 1]} : vector<144x128xf32> to vector<72x128xf32>
      %ge3A_103 = vector.broadcast %mul3A_66 : vector<1x128xf32> to vector<72x128xf32>
      %ge3A_104 = arith.cmpf oge, %slice3A_102, %ge3A_103 : vector<72x128xf32>
      %slice3A_105 = vector.extract_strided_slice %get3A_21 {offsets = [72, 0], sizes = [72, 1], strides = [1, 1]} : vector<144x1xf32> to vector<72x1xf32>
      %jit3A_106 = arith.constant 0.000000e+00 : f32
      %broadcast_in_dim3A_107 = vector.shape_cast %slice3A_105 : vector<72x1xf32> to vector<72x1xf32>
      %broadcast_in_dim3A_108 = vector.broadcast %broadcast_in_dim3A_107 : vector<72x1xf32> to vector<72x128xf32>
      %broadcast_in_dim3A_109 = vector.broadcast %jit3A_106 : f32 to vector<72x128xf32>
      %select_n3A_110 = arith.select %ge3A_104, %broadcast_in_dim3A_108, %broadcast_in_dim3A_109 : vector<72x128xi1>, vector<72x128xf32>
      %reduce_sum3A_111 = arith.constant dense<0.000000e+00> : vector<128xf32>
      %reduce_sum3A_112 = vector.multi_reduction <add>, %select_n3A_110, %reduce_sum3A_111 [0] : vector<72x128xf32> to vector<128xf32>
      %broadcast_in_dim3A_113 = vector.shape_cast %reduce_sum3A_112 : vector<128xf32> to vector<1x128xf32>
      %add3A_114 = arith.addf %broadcast_in_dim3A_101, %broadcast_in_dim3A_113 : vector<1x128xf32>
      %add3A_115 = arith.addf %add3A_89, %add3A_114 : vector<1x128xf32>
      %le3A = vector.broadcast %get3A_24 : f32 to vector<1x128xf32>
      %le3A_116 = arith.cmpf ole, %add3A_115, %le3A : vector<1x128xf32>
      %select_n3A_117 = arith.select %le3A_116, %scan3A_62, %mul3A_66 : vector<1x128xi1>, vector<1x128xf32>
      %select_n3A_118 = arith.select %le3A_116, %mul3A_66, %scan3A_63 : vector<1x128xi1>, vector<1x128xf32>
      scf.yield %select_n3A_117, %select_n3A_118 : vector<1x128xf32>, vector<1x128xf32>
    }
    %ge3A = vector.broadcast %scan3A_39#1 : vector<1x128xf32> to vector<144x128xf32>
    %ge3A_40 = arith.cmpf oge, %add3A_25, %ge3A : vector<144x128xf32>
    %jit3A = arith.constant 0x7F800000 : f32
    %broadcast_in_dim3A_41 = vector.broadcast %jit3A : f32 to vector<144x128xf32>
    %select_n3A = arith.select %ge3A_40, %add3A_25, %broadcast_in_dim3A_41 : vector<144x128xi1>, vector<144x128xf32>
    %reduce_min3A_42 = arith.constant dense<0x7F800000> : vector<128xf32>
    %reduce_min3A_43 = vector.multi_reduction <minimumf>, %select_n3A, %reduce_min3A_42 [0] : vector<144x128xf32> to vector<128xf32>
    %broadcast_in_dim3A_44 = vector.shape_cast %reduce_min3A_43 : vector<128xf32> to vector<1x128xf32>
    %ge3A_45 = vector.broadcast %scan3A_39#1 : vector<1x128xf32> to vector<144x128xf32>
    %ge3A_46 = arith.cmpf oge, %sub3A_26, %ge3A_45 : vector<144x128xf32>
    %jit3A_47 = arith.constant 0x7F800000 : f32
    %broadcast_in_dim3A_48 = vector.broadcast %jit3A_47 : f32 to vector<144x128xf32>
    %select_n3A_49 = arith.select %ge3A_46, %sub3A_26, %broadcast_in_dim3A_48 : vector<144x128xi1>, vector<144x128xf32>
    %reduce_min3A_50 = arith.constant dense<0x7F800000> : vector<128xf32>
    %reduce_min3A_51 = vector.multi_reduction <minimumf>, %select_n3A_49, %reduce_min3A_50 [0] : vector<144x128xf32> to vector<128xf32>
    %broadcast_in_dim3A_52 = vector.shape_cast %reduce_min3A_51 : vector<128xf32> to vector<1x128xf32>
    %min3A_53 = arith.minimumf %broadcast_in_dim3A_44, %broadcast_in_dim3A_52 : vector<1x128xf32>
    %is_finite3A = tpu.weird %min3A_53 : vector<1x128xf32> -> vector<1x128xi1>
    %is_finite3A_54 = arith.constant dense<true> : vector<1x128xi1>
    %is_finite3A_55 = arith.xori %is_finite3A, %is_finite3A_54 : vector<1x128xi1>
    %select_n3A_56 = arith.select %is_finite3A_55, %min3A_53, %max3A : vector<1x128xi1>, vector<1x128xf32>
    %broadcast_in_dim3A_57 = vector.shape_cast %select_n3A_56 : vector<1x128xf32> to vector<1x1x128xf32>
    %swap3A = arith.constant 0 : index
    %swap3A_58 = arith.constant 0 : index
    %swap3A_59 = arith.constant 0 : index
    %swap3A_60 = vector.load %arg8[%swap3A, %swap3A_58, %swap3A_59] : memref<1x1x128xf32, #tpu.memory_space<vmem>>, vector<1x1x128xf32>
    tpu.vector_store %arg8[%swap3A, %swap3A_58, %swap3A_59], %broadcast_in_dim3A_57 {strides = array<i32>} : memref<1x1x128xf32, #tpu.memory_space<vmem>>, vector<1x1x128xf32>,
    return
  }
  func.func @transform_0(%arg0: i32, %arg1: i32) -> (i32, i32) {
    %c0_i32 = arith.constant 0 : i32
    %c0_i32_0 = arith.constant 0 : i32
    return %c0_i32, %arg0 : i32, i32
  }
  func.func @transform_1(%arg0: i32, %arg1: i32) -> (i32, i32, i32) {
    %c0_i32 = arith.constant 0 : i32
    %c0_i32_0 = arith.constant 0 : i32
    %c0_i32_1 = arith.constant 0 : i32
    return %arg1, %c0_i32, %c0_i32_0 : i32, i32, i32
  }
  func.func @transform_2(%arg0: i32, %arg1: i32) -> (i32, i32, i32) {
    %c0_i32 = arith.constant 0 : i32
    %c0_i32_0 = arith.constant 0 : i32
    %c0_i32_1 = arith.constant 0 : i32
    return %arg1, %c0_i32, %c0_i32_0 : i32, i32, i32
  }
  func.func @transform_3(%arg0: i32, %arg1: i32) -> (i32, i32, i32) {
    %c0_i32 = arith.constant 0 : i32
    %c0_i32_0 = arith.constant 0 : i32
    %c0_i32_1 = arith.constant 0 : i32
    return %arg1, %c0_i32, %c0_i32_0 : i32, i32, i32
  }
  func.func @transform_4(%arg0: i32, %arg1: i32) -> (i32, i32, i32) {
    %c0_i32 = arith.constant 0 : i32
    %c0_i32_0 = arith.constant 0 : i32
    %c0_i32_1 = arith.constant 0 : i32
    return %arg1, %c0_i32, %c0_i32_0 : i32, i32, i32
  }
  func.func @transform_5(%arg0: i32, %arg1: i32) -> (i32, i32) {
    %c0_i32 = arith.constant 0 : i32
    %c0_i32_0 = arith.constant 0 : i32
    %c0_i32_1 = arith.constant 0 : i32
    return %c0_i32, %c0_i32_0 : i32, i32
  }
  func.func @transform_6(%arg0: i32, %arg1: i32) -> (i32, i32, i32) {
    %c0_i32 = arith.constant 0 : i32
    %c0_i32_0 = arith.constant 0 : i32
    return %arg1, %c0_i32, %arg0 : i32, i32, i32
  }
}

</mosaic_0001>

<sc_bundles>
// kernel: kernel.4.cloned.1.call-start
scs
__scs_entry_jumppad:
0x0: {  	(pc) =	sbr.rel $0x88, $3  }
0x1: {  	(tag) =	ssettag $0x0;
	lr =	simm.s32 $0x1  }
0x2: {  	[smem:$0x3F9D] =	sst lr;
	_ =	strace $0xD0000000  }
0x3: {  	_ = 	snop  }
0x4: {  	_ = 	snop  }
0x5: {  	_ = 	snop  }
0x6: {  	_ = 	snop  }
0x7: {  	_ = 	snop  }
__scs_overlays_trampoline_lowered:
0x8: {  	[smem:$0x3FAC] =	sst s0  }
0x9: {  	[smem:$0x3FAD] =	sst s1  }
0xa: {  	[smem:$0x3FAE] =	sst s2  }
0xb: {  	[smem:$0x3FAF] =	sst s3  }
0xc: {  	[smem:$0x3FB0] =	sst s4  }
0xd: {  	[smem:$0x3FB1] =	sst s5  }
0xe: {  	[smem:$0x3FB2] =	sst s6  }
0xf: {  	[smem:$0x3FB3] =	sst s7  }
0x10: {  	[smem:$0x3FB4] =	sst s8  }
0x11: {  	[smem:$0x3FB5] =	sst s9;
	s0 =	simm.s32 @!p0 $0x0  }
0x12: {  	s1 =	sld [smem:$0x3F9B];
	s0 =	simm.s32 @p0 $0x1  }
0x13: {  	[smem:$0x3FB6] =	sst s0;
	s0 =	simm.s32 @!p1 $0x0  }
0x14: {  	s2 =	sld [smem:$0x3F9A];
	s0 =	simm.s32 @p1 $0x1  }
0x15: {  	[smem:$0x3FB7] =	sst s0;
	s0 =	simm.s32 @!p2 $0x0  }
0x16: {  	s3 =	sld [smem:$0x3FDB];
	s0 =	simm.s32 @p2 $0x1  }
0x17: {  	s4 =	simm.s32 $0x1BF5;
	[smem:$0x3FB9] =	sst s0  }
0x18: {  	s0 =	sld [smem:$0x3F9C];
	_ =	swait.ge [sflag:s4], $0x0  }
0x19: {  	s7 =	sld [smem:$0x3F9D]  }
0x1a: {  	s8 =	sadd.s32 $0xFFFFE003, lr  }
0x1b: {  	s9 =	sadd.s32 $0xFFFFFEF7, lr;
	s5 =	simm.s32 $0xFFFFFFFF;
	p2 =	slt.u32 s8, $0xFFFFF086  }
0x1c: {  	p1 =	slt.u32 s9, $0xF7A;
	s5 =	simm.s32 @!p2 $0x0  }
0x1d: {  	s5 =	simm.s32 @p1 $0x1;
	p0 =	seq.s32 s7, s2  }
0x1e: {  	s7 =	smul.u32 @!p0 $0xF7A, s2;
	p2 =	seq.s32 @!p0 s5, $0x0  }
0x1f: {  	s9 =	smul.u32 $0xF7A, s1;
	s8 =	simm.s32 @!p0 $0x1BF5;
	p2 =	por !p2, p0  }
0x20: {  	[sflag:s8] =	ssyncset.s32 @!p0 $0xFFFFF086;
	s6 =	sadd.s32 @!p0 s3, s7;
	s7 =	simm.s32 @!p0 $0x108  }
0x21: {  	s3 =	sadd.s32 s3, s9;
	s6 =	sadd.s32 @!p0 $0x88, s6;
	s7 =	simm.s32 @p2 $0x1082  }
0x22: {  	[simem:s7], [sflag:s8] =	dma.local @!p0 [hbm:s6], $0xF7A  }
0x23: {  	s9 =	sor.u32 $0xD0000000, s2;
	s6 =	simm.s32 $0x108;
	_ =	swait.ge @!p0 [sflag:s8], $0x0  }
0x24: {  	s3 =	sadd.s32 $0x88, s3;
	s6 =	simm.s32 @!p1 $0x1082;
	[sflag:s4] =	ssyncset.s32 $0xFFFFF086  }
0x25: {  	[simem:s6], [sflag:s4] =	dma.local [hbm:s3], $0xF7A  }
0x26: {  	[smem:$0x3F9D] =	sst s1;
	(tag) =	ssettag s2;
	_ =	strace s9  }
0x27: {  	s1 =	sld [smem:$0x3FAD]  }
0x28: {  	s2 =	sld [smem:$0x3FAE]  }
0x29: {  	s4 =	sld [smem:$0x3FB0]  }
0x2a: {  	p0 =	seq.s32 s5, $0x0;
	s5 =	sld [smem:$0x3FB1]  }
0x2b: {  	s6 =	sld [smem:$0x3FB2]  }
0x2c: {  	s7 =	sld [smem:$0x3FB3]  }
0x2d: {  	s3 =	simm.s32 $0x108;
	s8 =	sld [smem:$0x3FB4]  }
0x2e: {  	s3 =	simm.s32 @!p0 $0x1082;
	s9 =	sld [smem:$0x3FB5]  }
0x2f: {  	lr =	sadd.s32 s0, s3;
	s0 =	sld [smem:$0x3FAC]  }
0x30: {  	s3 =	sld [smem:$0x3FAF]  }
0x31: {  	[smem:$0x3FB8] =	sst s10  }
0x32: {  	s10 =	sld [smem:$0x3FB6];
	_ =	sdelay $0x3  }
0x33: {  	p0 =	seq.s32 s10, $0x1;
	s10 =	sld [smem:$0x3FB8];
	_ =	sdelay $0x3  }
0x34: {  	[smem:$0x3FB8] =	sst s10  }
0x35: {  	s10 =	sld [smem:$0x3FB7];
	_ =	sdelay $0x3  }
0x36: {  	p1 =	seq.s32 s10, $0x1;
	s10 =	sld [smem:$0x3FB8];
	_ =	sdelay $0x3  }
0x37: {  	[smem:$0x3FB8] =	sst s10  }
0x38: {  	s10 =	sld [smem:$0x3FB9]  }
0x39: {  	_ = 	snop;
	(pc) =	sbr.ind lr, $3  }
0x3a: {  	_ = 	snop  }
0x3b: {  	_ = 	snop  }
0x3c: {  	p2 =	seq.s32 s10, $0x1;
	s10 =	sld [smem:$0x3FB8]  }
0x3d: {  	_ =	shalt  }
0x3e: {  	_ =	shalt  }
0x3f: {  	_ =	shalt  }
0x40: {  	_ =	shalt  }
0x41: {  	_ =	shalt  }
0x42: {  	_ =	shalt  }
0x43: {  	_ =	shalt  }
0x44: {  	_ =	shalt  }
0x45: {  	_ =	shalt  }
0x46: {  	_ =	shalt  }
0x47: {  	_ =	shalt  }
0x48: {  	_ =	shalt  }
0x49: {  	_ =	shalt  }
0x4a: {  	_ =	shalt  }
0x4b: {  	_ =	shalt  }
0x4c: {  	_ =	shalt  }
0x4d: {  	_ =	shalt  }
0x4e: {  	_ =	shalt  }
0x4f: {  	_ =	shalt  }
0x50: {  	_ =	shalt  }
0x51: {  	_ =	shalt  }
0x52: {  	_ =	shalt  }
0x53: {  	_ =	shalt  }
0x54: {  	_ =	shalt  }
0x55: {  	_ =	shalt  }
0x56: {  	_ =	shalt  }
0x57: {  	_ =	shalt  }
0x58: {  	_ =	shalt  }
0x59: {  	_ =	shalt  }
0x5a: {  	_ =	shalt  }
0x5b: {  	_ =	shalt  }
0x5c: {  	_ =	shalt  }
0x5d: {  	_ =	shalt  }
0x5e: {  	_ =	shalt  }
0x5f: {  	_ =	shalt  }
0x60: {  	_ =	shalt  }
0x61: {  	_ =	shalt  }
0x62: {  	_ =	shalt  }
0x63: {  	_ =	shalt  }
0x64: {  	_ =	shalt  }
0x65: {  	_ =	shalt  }
0x66: {  	_ =	shalt  }
0x67: {  	_ =	shalt  }
0x68: {  	_ =	shalt  }
0x69: {  	_ =	shalt  }
0x6a: {  	_ =	shalt  }
0x6b: {  	_ =	shalt  }
0x6c: {  	_ =	shalt  }
0x6d: {  	_ =	shalt  }
0x6e: {  	_ =	shalt  }
0x6f: {  	_ =	shalt  }
0x70: {  	_ =	shalt  }
0x71: {  	_ =	shalt  }
0x72: {  	_ =	shalt  }
0x73: {  	_ =	shalt  }
0x74: {  	_ =	shalt  }
0x75: {  	_ =	shalt  }
0x76: {  	_ =	shalt  }
0x77: {  	_ =	shalt  }
0x78: {  	_ =	shalt  }
0x79: {  	_ =	shalt  }
0x7a: {  	_ =	shalt  }
0x7b: {  	_ =	shalt  }
0x7c: {  	_ =	shalt  }
0x7d: {  	_ =	shalt  }
0x7e: {  	_ =	shalt  }
0x7f: {  	_ =	shalt  }
0x80: {  	_ =	shalt  }
0x81: {  	_ =	shalt  }
0x82: {  	_ =	shalt  }
0x83: {  	_ =	shalt  }
0x84: {  	_ =	shalt  }
0x85: {  	_ =	shalt  }
0x86: {  	_ =	shalt  }
0x87: {  	_ =	shalt  }
.Lfunc_end0:
.L_simem_size_0:
called_computation_lowered:
.L_overlay_start_0:
0x88: {  	s2 =	sld [smem:$0x3FD9]  }
0x89: {  	s3 =	sld [smem:$0x3FFE];
	_ =	sdelay $0x1  }
0x8a: {  	s1 =	srdreg.scid  }
0x8b: {  	s0 =	sand.u32 $0x1, s1  }
0x8c: {  	s17 =	sshll.u32 s0, $0xA;
	s2 =	sadd.s32 s3, s2  }
0x8d: {  	s2 =	sadd.s32 s2, s17  }
0x8e: {  	[smem:$0x3FC4] =	sst s2  }
0x8f: {  	_ = 	snop  }
0x90: {  	s2 =	sld [smem:$0x3FC6]  }
0x91: {  	s18 =	sld [smem:$0x3FD0];
	(tm) =	ssettm $0x1  }
0x92: {  	s4 =	sld [smem:$0x3FFB];
	_ =	sdelay $0x3  }
0x93: {  	_ =	strace s4  }
0x94: {  	s4 =	sld [smem:$0x3FFC];
	_ =	sdelay $0x3  }
0x95: {  	_ =	strace s4  }
0x96: {  	s4 =	sld [smem:$0x3FFD];
	_ =	sdelay $0x3  }
0x97: {  	_ =	strace s4  }
0x98: {  	_ =	strace $0x8FFFFFFF  }
0x99: {  	s19 =	sld [smem:$0x3FDB];
	_ =	sdelay $0x1  }
0x9a: {  	s5 =	simm.s32 $_scs_section_size  }
0x9b: {  	s6 =	simm.s32 $_size__tile_overlayer_lowered;
	s7 =	simm.s32 $_tile_overlayer_lowered  }
0x9c: {  	s22 =	simm.s32 $0x1BFF;
	s21 =	sshll.u32 s7, $0x1;
	s4 =	sadd.s32 s5, s19  }
0x9d: {  	s8 =	simm.s32 $0x0;
	s20 =	sshll.u32 s6, $0x1;
	s6 =	sadd.s32 s21, s4  }
0x9e: {  	[timem:s8], [sflag:s22] =	dma.local [hbm:s6], s20  }
0x9f: {  	_ =	swait.ge [sflag:s22], s20  }
0xa0: {  	s5 =	ssub.s32 $0x0, s20;
	[sflag:s22] =	ssyncset.done $0x0  }
0xa1: {  	[sflag:s22] =	ssyncadd.s32 s5;
	_ =	sdelay $0x1  }
0xa2: {  	s23 =	simm.s32 $0x1B8B  }
0xa3: {  	_ =	swait.ge [sflag:s23], $0x1  }
0xa4: {  	[sflag:s23] =	ssyncset.done $0x0  }
0xa5: {  	s25 =	simm.s32 $0x1B8E;
	s24 =	sld [smem:$0x3FFE];
	[sflag:s23] =	ssyncadd.s32 $0xFFFFFFFF  }
0xa6: {  	s26 =	simm.s32 $execute0_lowered;
	[smem:$0x3FD2] =	sst s25  }
0xa7: {  	s6 =	sshll.u32 s26, $0x1;
	_ =	strace $0x80000046;
	[dreg:$0x1] =	wrdreg $0xFFFFFFFF  }
0xa8: {  	s28 =	simm.s32 $_size_execute0_lowered;
	s4 =	sadd.s32 s4, s6;
	[dreg:$0x0] =	wrdreg $0x0  }
0xa9: {  	s6 =	sshll.u32 s28, $0x1;
	[dreg:$0x2] =	wrdreg s4  }
0xaa: {  	[dreg:$0x3] =	wrdreg s6  }
0xab: {  	[dreg:$0x4] =	wrdreg $0xC0  }
0xac: {  	_ =	task [dreg:s8], $0x5FFFF  }
0xad: {  	[dreg:$0x1] =	wrdreg $0xFFFFFFFF  }
0xae: {  	[dreg:$0x0] =	wrdreg $0x60  }
0xaf: {  	[dreg:$0x2] =	wrdreg s18  }
0xb0: {  	[dreg:$0x3] =	wrdreg s24  }
0xb1: {  	[dreg:$0x4] =	wrdreg s2  }
0xb2: {  	[dreg:$0x5] =	wrdreg $0x9  }
0xb3: {  	_ =	task.clear_ibuf [dreg:s8], $0x6FFFF;
	_ =	strace $0x90000046  }
0xb4: {  	s29 =	simm.s32 $0x9;
	_ =	strace $0x80000048  }
0xb5: {  	_ =	swait.ge [sflag:s29], $0x1  }
0xb6: {  	[sflag:s29] =	ssyncadd.s32 $0xFFFFFFFF  }
0xb7: {  	_ =	strace $0x90000048  }
0xb8: {  	_ =	sfence  }
0xb9: {  	s30 =	sld [smem:$0x0];
	_ =	sdelay $0x2  }
0xba: {  	s31 =	sshll.u32 s1, $0xD;
	s1 =	sshrl.u32 s1, $0x2  }
0xbb: {  	s3 =	sand.u32 $0x4000, s31;
	s1 =	sadd.s32 s1, s30  }
0xbc: {  	s0 =	sor.u32 s3, s0;
	s1 =	sshll.u32 s1, $0x11  }
0xbd: {  	s0 =	sor.u32 s1, s0  }
0xbe: {  	s0 =	sadd.s32 $0x8F2B, s0  }
0xbf: {  	[sflag:s0] =	ssyncadd.remote.s32 $0x1  }
0xc0: {  	_ =	sfence.sel $0xFFFF  }
0xc1: {  	[dreg:$0x0] =	wrdreg $0xFFFFFFFF;
	(pc) =	sbr.abs _section_cstart, $3  }
0xc2: {  	[dreg:$0x1] =	wrdreg $0xFFFFFFFF  }
0xc3: {  	_ =	task.clear_ibuf [dreg:s8], $0x2FFFF;
	_ =	strace $0x9FFFFFFF  }
0xc4: {  	(tm) =	ssettm $0x7FFFFFFF  }
0xc5: {  	_ =	shalt  }
tec
execute0_lowered:
.L_overlay_start_1:
0x0: {  	(tag) =	ssettag $0x1  }
0x1: {  	s6 =	rddreg [dreg:$0x0]  }
0x2: {  	s7 =	rddreg [dreg:$0x1]  }
0x3: {  	s1 =	rddreg [dreg:$0x2]  }
0x4: {  	s0 =	rddreg [dreg:$0x3];
	s3 =	simm.s32 $0x0  }
0x5: {  	s4 =	srdreg.scid;
	s2 =	stileid.u32;
	s12 =	simm.s32 $0x3600  }
0x6: {  	s13 =	simm.s32 $0x6C10;
	s14 =	simm.s32 $0x0;
	[smem:$0x7FF] =	sst s3  }
0x7: {  	s5 =	sand.u32 $0x1, s4;
	s8 =	sshll.u32 s2, $0x1;
	s4 =	sadd.s32 $0x1400, s7  }
0x8: {  	_ =	strace $0x80000047;
	s8 =	sor.u32 s5, s8;
	s9 =	ssub.s32 $0x2, s5  }
0x9: {  	s10 =	sshll.u32 s8, $0x6;
	s11 =	sshrl.u32 s9, $0x1;
	s8 =	smul.u32 $0x240, s8  }
0xa: {  	s5 =	sadd.s32 $0x1000, s7;
	s7 =	sadd.s32 s10, s7;
	s9 =	ssub.s32 s9, s11  }
0xb: {  	v0 =	vlaneseq.u32;
	s10 =	simm.s32 $0x1200;
	s11 =	simm.s32 $0x2400;
	s6 =	sadd.s32 s6, s8  }
0xc: {  	v0 =	vmul.u32 $0x90, v0;
	s7 =	sadd.s32 $0x1800, s7;
	s8 =	smax.u32 s9, $0x1;
	s9 =	simm.s32 $0x1  }
.LBB2_1:
0xd: {  	[tilespmem:s3], [sflag:$0x1] =	stream.linear.gather [hbm4b:s6+s3], $0x1200, $0x38;
	[tilespmem:$0x6E10] =	vst v63  }
0xe: {  	_ =	swait.ge [sflag:s9], $0x1200  }
0xf: {  	[sflag:s9] =	ssyncset.done $0x0  }
0x10: {  	[sflag:s9] =	ssyncadd.s32 $0xFFFFEE00  }
0x11: {  	[tilespmem:s10], [sflag:$0x1] =	stream.linear.gather [hbm4b:s4+s3], $0x1200, $0x38;
	[tilespmem:$0x6E10] =	vst v63  }
0x12: {  	_ =	swait.ge [sflag:s9], $0x1200  }
0x13: {  	[sflag:s9] =	ssyncset.done $0x0  }
0x14: {  	[sflag:s9] =	ssyncadd.s32 $0xFFFFEE00  }
0x15: {  	[tilespmem:s11], [sflag:$0x1] =	stream.linear.gather [hbm4b:s5+s3], $0x1200, $0x38;
	[tilespmem:$0x6E10] =	vst v63  }
0x16: {  	_ =	swait.ge [sflag:s9], $0x1200  }
0x17: {  	[sflag:s9] =	ssyncset.done $0x0  }
0x18: {  	[sflag:s9] =	ssyncadd.s32 $0xFFFFEE00  }
0x19: {  	[tilespmem:s12], [sflag:$0x1] =	stream.linear.gather [hbm4b:s1+s3], $0x10, $0x38;
	[tilespmem:$0x6E10] =	vst v63  }
0x1a: {  	_ =	swait.ge [sflag:s9], $0x10  }
0x1b: {  	[sflag:s9] =	ssyncset.done $0x0  }
0x1c: {  	s15 =	simm.s32 $0x0;
	[sflag:s9] =	ssyncadd.s32 $0xFFFFFFF0  }
.LBB2_2:
0x1d: {  	v1 =	vmov s15  }
0x1e: {  	v4 =	vimm.s32 $0x0;
	v2 =	vmul.u32 $0x120, v1  }
0x1f: {  	v5 =	vand.u32 $0xFFFFFFF8, v4  }
0x20: {  	v6 =	vand.u32 $0x6, v4;
	v7 =	vadd.s32 v2, v5  }
0x21: {  	v7 =	vor.u32 v6, v7;
	_ =	sdelay $0x3  }
0x22: {  	v3 =	vadd.s32 $0x90, v2  }
0x23: {  	v5 =	vadd.s32 v3, v5;
	v8 =	vld.idx.msk [tilespmem:v7+s10+$0x0], $0xffff  }
0x24: {  	v5 =	vor.u32 v6, v5;
	_ =	sdelay $0x2  }
0x25: {  	s19 =	simm.s32 $0x3620  }
0x26: {  	v1 =	vld.idx.msk [tilespmem:v1+s12+$0x0], $0xffff;
	[tilespmem:s19+$0xFFFFFFF0] =	vst v8  }
0x27: {  	v6 =	vld.idx.msk [tilespmem:v5+s10+$0x0], $0xffff;
	_ =	sdelay $0x3  }
0x28: {  	s18 =	simm.s32 $0x3F20  }
0x29: {  	[tilespmem:s18+$0xFFFFFFF0] =	vst v6  }
0x2a: {  	v6 =	vld.idx.msk [tilespmem:v7+s11+$0x0], $0xffff;
	_ =	sdelay $0x3  }
0x2b: {  	s17 =	simm.s32 $0x4820  }
0x2c: {  	[tilespmem:s17+$0xFFFFFFF0] =	vst v6  }
0x2d: {  	v5 =	vld.idx.msk [tilespmem:v5+s11+$0x0], $0xffff  }
0x2e: {  	v6 =	vor.u32 $0x1, v7;
	_ =	sdelay $0x2  }
0x2f: {  	s16 =	simm.s32 $0x5120;
	v7 =	vadd.s32 $0x91, v4  }
0x30: {  	[tilespmem:s16+$0xFFFFFFF0] =	vst v5;
	v5 =	vand.u32 $0xFFFFFFF8, v7  }
0x31: {  	v7 =	vand.u32 $0x7, v7;
	v8 =	vld.idx.msk [tilespmem:v6+s10+$0x0], $0xffff;
	v5 =	vadd.s32 v2, v5  }
0x32: {  	v5 =	vor.u32 v7, v5;
	_ =	sdelay $0x3  }
0x33: {  	[tilespmem:s19+$0x0] =	vst v8  }
0x34: {  	v7 =	vld.idx.msk [tilespmem:v5+s10+$0x0], $0xffff;
	_ =	sdelay $0x4  }
0x35: {  	[tilespmem:s18+$0x0] =	vst v7  }
0x36: {  	v6 =	vld.idx.msk [tilespmem:v6+s11+$0x0], $0xffff;
	_ =	sdelay $0x3  }
0x37: {  	v4 =	vadd.s32 $0x2, v4  }
0x38: {  	v7 =	vand.u32 $0xFFFFFFF8, v4;
	[tilespmem:s17+$0x0] =	vst v6  }
0x39: {  	v9 =	vadd.s32 v2, v7;
	v6 =	vand.u32 $0x6, v4;
	v8 =	vld.idx.msk [tilespmem:v5+s11+$0x0], $0xffff  }
0x3a: {  	v5 =	vor.u32 v6, v9;
	_ =	sdelay $0x2  }
0x3b: {  	s20 =	simm.s32 $0x2;
	s19 =	simm.s32 $0x3640;
	s18 =	simm.s32 $0x3F40;
	v7 =	vadd.s32 v3, v7  }
.LBB2_3:
0x3c: {  	s20 =	sadd.s32 $0x2, s20;
	[tilespmem:s16+$0x0] =	vst v8;
	s16 =	sadd.s32 $0x20, s16;
	s17 =	sadd.s32 $0x20, s17  }
0x3d: {  	p0 =	slt.u32 s20, $0x8E;
	v8 =	vld.idx.msk [tilespmem:v5+s10+$0x0], $0xffff;
	_ =	sdelay $0x1  }
0x3e: {  	v6 =	vor.u32 v6, v7;
	_ =	sdelay $0x3  }
0x3f: {  	[tilespmem:s19+$0xFFFFFFF0] =	vst v8  }
0x40: {  	v7 =	vld.idx.msk [tilespmem:v6+s10+$0x0], $0xffff;
	_ =	sdelay $0x5  }
0x41: {  	[tilespmem:s18+$0xFFFFFFF0] =	vst v7  }
0x42: {  	v7 =	vld.idx.msk [tilespmem:v5+s11+$0x0], $0xffff;
	_ =	sdelay $0x5  }
0x43: {  	[tilespmem:s17+$0xFFFFFFF0] =	vst v7  }
0x44: {  	v6 =	vld.idx.msk [tilespmem:v6+s11+$0x0], $0xffff;
	_ =	sdelay $0x1  }
0x45: {  	v5 =	vor.u32 $0x1, v5;
	_ =	sdelay $0x3  }
0x46: {  	[tilespmem:s16+$0xFFFFFFF0] =	vst v6;
	v6 =	vadd.s32 $0x91, v4  }
0x47: {  	v7 =	vld.idx.msk [tilespmem:v5+s10+$0x0], $0xffff;
	v8 =	vand.u32 $0xFFFFFFF8, v6  }
0x48: {  	v6 =	vand.u32 $0x7, v6;
	v8 =	vadd.s32 v2, v8  }
0x49: {  	v6 =	vor.u32 v6, v8;
	_ =	sdelay $0x3  }
0x4a: {  	[tilespmem:s19+$0x0] =	vst v7  }
0x4b: {  	v7 =	vld.idx.msk [tilespmem:v6+s10+$0x0], $0xffff;
	_ =	sdelay $0x5  }
0x4c: {  	[tilespmem:s18+$0x0] =	vst v7  }
0x4d: {  	v5 =	vld.idx.msk [tilespmem:v5+s11+$0x0], $0xffff;
	_ =	sdelay $0x5  }
0x4e: {  	v4 =	vadd.s32 $0x2, v4;
	[tilespmem:s17+$0x0] =	vst v5  }
0x4f: {  	v5 =	vand.u32 $0xFFFFFFF8, v4;
	v8 =	vld.idx.msk [tilespmem:v6+s11+$0x0], $0xffff  }
.Ltmp0:
0x50: {  	v6 =	vand.u32 $0x6, v4;
	v9 =	vadd.s32 v2, v5;
	v7 =	vadd.s32 v3, v5;
	(pc) =	sbr.rel @p0 .LBB2_3-.Ltmp0, $2  }
0x51: {  	v5 =	vor.u32 v6, v9;
	_ =	sdelay $0x2  }
0x52: {  	s19 =	sadd.s32 $0x20, s19;
	s18 =	sadd.s32 $0x20, s18  }
0x53: {  	_ =	sdelay $0x2  }
0x54: {  	[tilespmem:s16+$0x0] =	vst v8  }
0x55: {  	v3 =	vld.idx.msk [tilespmem:v5+s10+$0x0], $0xffff  }
0x56: {  	v6 =	vor.u32 v6, v7;
	_ =	sdelay $0x3  }
0x57: {  	[tilespmem:s19+$0xFFFFFFF0] =	vst v3  }
0x58: {  	v3 =	vld.idx.msk [tilespmem:v6+s10+$0x0], $0xffff;
	_ =	sdelay $0x4  }
0x59: {  	[tilespmem:s18+$0xFFFFFFF0] =	vst v3  }
0x5a: {  	v3 =	vld.idx.msk [tilespmem:v5+s11+$0x0], $0xffff;
	_ =	sdelay $0x3  }
0x5b: {  	s17 =	sadd.s32 $0x20, s17  }
0x5c: {  	[tilespmem:s17+$0xFFFFFFF0] =	vst v3  }
0x5d: {  	v3 =	vld.idx.msk [tilespmem:v6+s11+$0x0], $0xffff  }
0x5e: {  	v62 =	vor.u32 $0x1, v5;
	_ =	sdelay $0x2  }
0x5f: {  	s29 =	sadd.s32 $0x20, s16;
	v4 =	vadd.s32 $0x91, v4  }
0x60: {  	[tilespmem:s29+$0xFFFFFFF0] =	vst v3;
	v3 =	vand.u32 $0xFFFFFFF8, v4  }
0x61: {  	v4 =	vand.u32 $0x7, v4;
	v63 =	vld.idx.msk [tilespmem:v62+s10+$0x0], $0xffff;
	v2 =	vadd.s32 v2, v3  }
0x62: {  	v2 =	vor.u32 v4, v2;
	_ =	sdelay $0x3  }
0x63: {  	[tilespmem:s19+$0x0] =	vst v63  }
0x64: {  	v3 =	vld.idx.msk [tilespmem:v2+s10+$0x0], $0xffff;
	_ =	sdelay $0x4  }
0x65: {  	[tilespmem:s18+$0x0] =	vst v3  }
0x66: {  	v3 =	vld.idx.msk [tilespmem:v62+s11+$0x0], $0xffff;
	_ =	sdelay $0x4  }
0x67: {  	[tilespmem:s17+$0x0] =	vst v3  }
0x68: {  	v2 =	vld.idx.msk [tilespmem:v2+s11+$0x0], $0xffff;
	_ =	sdelay $0x1  }
0x69: {  	s30 =	sshll.u32 s15, $0x5  }
0x6a: {  	s16 =	sand.u32 $0x3FFFFFE0, s30  }
0x6b: {  	s31 =	sadd.s32 $0x6C10, s16  }
0x6c: {  	p1 =	por $0x1, $0x1;
	s16 =	simm.s32 $0x0;
	s17 =	simm.s32 $0x0;
	[tilespmem:s29+$0x0] =	vst v2;
	v2 =	vmov s31  }
.LBB2_5:
0x6d: {  	v3 =	vmov s17  }
0x6e: {  	v3 =	vmul.u32 $0x90, v3;
	_ =	sdelay $0x1  }
0x6f: {  	v3 =	vbroadcast v3, $0x0  }
0x70: {  	v4 =	vimm.s32 $0x0  }
0x71: {  	v5 =	vand.u32 $0xFFFFFFF8, v4;
	v3 =	vadd.s32 v0, v3  }
0x72: {  	v6 =	vand.u32 $0x6, v4;
	v5 =	vadd.s32 v5, v3  }
0x73: {  	v5 =	vor.u32 v6, v5;
	_ =	sdelay $0x2  }
0x74: {  	s19 =	simm.s32 $0x3620  }
0x75: {  	v7 =	vld [tilespmem:s19+$0xFFFFFFF0]  }
0x76: {  	s20 =	simm.s32 $0x3F20;
	v6 =	vld.idx.msk [tilespmem:v5+s16+$0x0], $0xffff  }
0x77: {  	v8 =	vld [tilespmem:s20+$0xFFFFFFF0];
	_ =	sdelay $0x2  }
0x78: {  	v5 =	vor.u32 $0x1, v5  }
0x79: {  	v9 =	vadd.f32 v7, v6  }
0x7a: {  	s22 =	simm.s32 $0x5A20;
	v6 =	vsub.f32 v8, v6  }
0x7b: {  	s21 =	simm.s32 $0x6320;
	[tilespmem:s22+$0xFFFFFFF0] =	vst v9  }
0x7c: {  	[tilespmem:s21+$0xFFFFFFF0] =	vst v6  }
0x7d: {  	v10 =	vimm.f32 $+Inf;
	v7 =	vld.idx.msk [tilespmem:v5+s16+$0x0], $0xffff  }
0x7e: {  	v11 =	vimm.f32 $-Inf;
	v5 =	vmin.f32 v9, v6;
	v6 =	vmax.f32 v9, v6;
	v8 =	vld [tilespmem:s19+$0x0]  }
0x7f: {  	p0 =	por p1, p1;
	s23 =	simm.s32 $0x0;
	v4 =	vadd.s32 $0x2, v4;
	v9 =	vld [tilespmem:s20+$0x0];
	v5 =	vmin.f32 v10, v5;
	v6 =	vmax.f32 v11, v6  }
.LBB2_6:
0x80: {  	v10 =	vand.u32 $0xFFFFFFF8, v4  }
0x81: {  	v11 =	vand.u32 $0x6, v4;
	v10 =	vadd.s32 v10, v3  }
0x82: {  	s23 =	sadd.s32 $0x2, s23;
	v10 =	vor.u32 v11, v10  }
0x83: {  	p1 =	slt.u32 s23, $0x8E;
	v8 =	vadd.f32 v8, v7  }
0x84: {  	v7 =	vsub.f32 v9, v7  }
0x85: {  	[tilespmem:s22+$0x0] =	vst v8  }
0x86: {  	s18 =	simm.s32 $0x0;
	[tilespmem:s21+$0x0] =	vst v7;
	v9 =	vmin.f32 v8, v7;
	v7 =	vmax.f32 v8, v7  }
0x87: {  	s20 =	sadd.s32 $0x20, s20;
	v8 =	vld.idx.msk [tilespmem:v10+s18+$0x0], $0xffff;
	v5 =	vmin.f32 v5, v9;
	v6 =	vmax.f32 v6, v7  }
0x88: {  	s19 =	sadd.s32 $0x20, s19;
	v7 =	vld [tilespmem:s20+$0xFFFFFFF0]  }
0x89: {  	v9 =	vld [tilespmem:s19+$0xFFFFFFF0];
	_ =	sdelay $0x3  }
0x8a: {  	v10 =	vor.u32 $0x1, v10  }
0x8b: {  	v9 =	vadd.f32 v9, v8  }
0x8c: {  	s22 =	sadd.s32 $0x20, s22;
	v7 =	vsub.f32 v7, v8  }
.Ltmp1:
0x8d: {  	s21 =	sadd.s32 $0x20, s21;
	[tilespmem:s22+$0xFFFFFFF0] =	vst v9;
	(pc) =	sbr.rel @p1 .LBB2_6-.Ltmp1, $4  }
0x8e: {  	v8 =	vmin.f32 v9, v7;
	[tilespmem:s21+$0xFFFFFFF0] =	vst v7;
	v7 =	vmax.f32 v9, v7  }
0x8f: {  	v5 =	vmin.f32 v5, v8;
	v6 =	vmax.f32 v6, v7;
	v7 =	vld.idx.msk [tilespmem:v10+s18+$0x0], $0xffff  }
0x90: {  	v8 =	vld [tilespmem:s19+$0x0]  }
0x91: {  	v4 =	vadd.s32 $0x2, v4;
	v9 =	vld [tilespmem:s20+$0x0]  }
0x92: {  	_ =	sdelay $0x3  }
0x93: {  	v3 =	vadd.f32 v8, v7;
	v4 =	vsub.f32 v9, v7;
	_ =	sdelay $0x1  }
0x94: {  	[tilespmem:s22+$0x0] =	vst v3;
	v7 =	vmin.f32 v3, v4;
	v3 =	vmax.f32 v3, v4  }
0x95: {  	[tilespmem:s21+$0x0] =	vst v4;
	v4 =	vmin.f32 v5, v7;
	v3 =	vmax.f32 v6, v3  }
.LBB2_8:
0x96: {  	s21 =	simm.s32 $0x0  }
0x97: {  	v6 =	vld [tilespmem:s21+$0x5A10]  }
0x98: {  	v5 =	vadd.f32 v3, v4;
	v7 =	vld [tilespmem:s21+$0x4810]  }
0x99: {  	v8 =	vld [tilespmem:s21+$0x6310]  }
0x9a: {  	v9 =	vld [tilespmem:s21+$0x5110];
	v5 =	vmul.f32 $5.000000000e-01, v5  }
0x9b: {  	v10 =	vld [tilespmem:s21+$0x5A20]  }
0x9c: {  	vm0 =	vge.f32 v6, v5;
	v6 =	vld [tilespmem:s21+$0x4820]  }
0x9d: {  	v11 =	vimm.f32 $0.0e+00;
	v12 =	vld [tilespmem:s21+$0x6320];
	v7 =	vnsel vm0, $0x0, v7  }
0x9e: {  	vm0 =	vge.f32 v8, v5;
	v7 =	vadd.f32 v7, v11;
	v11 =	vld [tilespmem:s21+$0x5120]  }
0x9f: {  	v8 =	vnsel vm0, $0x0, v9;
	v9 =	vld [tilespmem:s21+$0x5A30]  }
0xa0: {  	vm0 =	vge.f32 v10, v5;
	v10 =	vld [tilespmem:s21+$0x4830];
	v7 =	vadd.f32 v8, v7  }
0xa1: {  	v13 =	vld [tilespmem:s21+$0x6330];
	v6 =	vnsel vm0, $0x0, v6  }
0xa2: {  	v8 =	vld [tilespmem:s21+$0x5130];
	vm0 =	vge.f32 v12, v5;
	v7 =	vadd.f32 v6, v7  }
0xa3: {  	v6 =	vld [tilespmem:s21+$0x5A40];
	v11 =	vnsel vm0, $0x0, v11  }
0xa4: {  	vm0 =	vge.f32 v9, v5;
	v9 =	vld [tilespmem:s21+$0x4840];
	v11 =	vadd.f32 v11, v7  }
0xa5: {  	v10 =	vnsel vm0, $0x0, v10;
	v7 =	vld [tilespmem:s21+$0x6340]  }
0xa6: {  	s19 =	simm.s32 $0x40;
	s20 =	simm.s32 $0x200;
	vm0 =	vge.f32 v13, v5;
	v11 =	vadd.f32 v10, v11;
	v10 =	vld [tilespmem:s21+$0x5140]  }
.LBB2_9:
0xa7: {  	p1 =	sne.s32 s20, $0x2300;
	v12 =	vld [tilespmem:s19+$0x5A10];
	v8 =	vnsel vm0, $0x0, v8  }
0xa8: {  	v13 =	vld [tilespmem:s19+$0x4810];
	v8 =	vadd.f32 v8, v11;
	vm0 =	vge.f32 v6, v5  }
0xa9: {  	v6 =	vld [tilespmem:s19+$0x6310];
	v9 =	vnsel vm0, $0x0, v9  }
0xaa: {  	v11 =	vld [tilespmem:s19+$0x5110];
	v8 =	vadd.f32 v9, v8;
	vm0 =	vge.f32 v7, v5  }
0xab: {  	v7 =	vld [tilespmem:s19+$0x5A20];
	v9 =	vnsel vm0, $0x0, v10  }
0xac: {  	vm0 =	vge.f32 v12, v5;
	v10 =	vld [tilespmem:s19+$0x4820];
	v8 =	vadd.f32 v9, v8  }
0xad: {  	v9 =	vnsel vm0, $0x0, v13;
	v12 =	vld [tilespmem:s19+$0x6320]  }
0xae: {  	v8 =	vadd.f32 v9, v8;
	vm0 =	vge.f32 v6, v5;
	v6 =	vld [tilespmem:s19+$0x5120]  }
0xaf: {  	v9 =	vnsel vm0, $0x0, v11;
	v11 =	vld [tilespmem:s19+$0x5A30]  }
0xb0: {  	v8 =	vadd.f32 v9, v8;
	vm0 =	vge.f32 v7, v5;
	v7 =	vld [tilespmem:s19+$0x4830]  }
0xb1: {  	v9 =	vnsel vm0, $0x0, v10;
	v10 =	vld [tilespmem:s19+$0x6330]  }
.Ltmp2:
0xb2: {  	v9 =	vadd.f32 v9, v8;
	vm0 =	vge.f32 v12, v5;
	v8 =	vld [tilespmem:s19+$0x5130];
	(pc) =	sbr.rel @p1 .LBB2_9-.Ltmp2, $4  }
0xb3: {  	v12 =	vnsel vm0, $0x0, v6;
	v6 =	vld [tilespmem:s19+$0x5A40]  }
0xb4: {  	v12 =	vadd.f32 v12, v9;
	vm0 =	vge.f32 v11, v5;
	v9 =	vld [tilespmem:s19+$0x4840]  }
0xb5: {  	v11 =	vnsel vm0, $0x0, v7;
	v7 =	vld [tilespmem:s19+$0x6340]  }
0xb6: {  	v11 =	vadd.f32 v11, v12;
	vm0 =	vge.f32 v10, v5;
	v10 =	vld [tilespmem:s19+$0x5140];
	s19 =	sshra.s32 s20, $0x2;
	s20 =	sadd.s32 $0x100, s20  }
0xb7: {  	v12 =	vld [tilespmem:s19+$0x5A10];
	v8 =	vnsel vm0, $0x0, v8  }
0xb8: {  	v13 =	vld [tilespmem:s19+$0x4810];
	v8 =	vadd.f32 v8, v11;
	vm5 =	vge.f32 v6, v5  }
0xb9: {  	v6 =	vld [tilespmem:s19+$0x6310];
	v9 =	vnsel vm5, $0x0, v9  }
0xba: {  	v51 =	vld [tilespmem:s19+$0x5110];
	v8 =	vadd.f32 v9, v8;
	vm6 =	vge.f32 v7, v5  }
0xbb: {  	v7 =	vld [tilespmem:s19+$0x5A20];
	v52 =	vnsel vm6, $0x0, v10  }
0xbc: {  	v53 =	vld [tilespmem:s19+$0x4820];
	vm7 =	vge.f32 v12, v5;
	v8 =	vadd.f32 v52, v8  }
0xbd: {  	v55 =	vld [tilespmem:s19+$0x6320];
	v54 =	vnsel vm7, $0x0, v13  }
0xbe: {  	vm8 =	vge.f32 v6, v5;
	v6 =	vld [tilespmem:s19+$0x5120];
	v8 =	vadd.f32 v54, v8  }
0xbf: {  	v57 =	vld [tilespmem:s19+$0x5A30];
	v56 =	vnsel vm8, $0x0, v51  }
0xc0: {  	vm9 =	vge.f32 v7, v5;
	v7 =	vld [tilespmem:s19+$0x4830];
	v8 =	vadd.f32 v56, v8  }
0xc1: {  	v59 =	vld [tilespmem:s19+$0x6330];
	v58 =	vnsel vm9, $0x0, v53  }
0xc2: {  	v60 =	vld [tilespmem:s19+$0x5130];
	vm10 =	vge.f32 v55, v5;
	v8 =	vadd.f32 v58, v8  }
0xc3: {  	v61 =	vld [tilespmem:s19+$0x5A40];
	v6 =	vnsel vm10, $0x0, v6  }
0xc4: {  	v62 =	vld [tilespmem:s19+$0x4840];
	vm11 =	vge.f32 v57, v5;
	v6 =	vadd.f32 v6, v8  }
0xc5: {  	v63 =	vld [tilespmem:s19+$0x6340];
	v7 =	vnsel vm11, $0x0, v7  }
0xc6: {  	vm12 =	vge.f32 v59, v5;
	v6 =	vadd.f32 v7, v6;
	v7 =	vld [tilespmem:s19+$0x5140]  }
0xc7: {  	v9 =	vnsel vm12, $0x0, v60  }
0xc8: {  	vm13 =	vge.f32 v61, v5;
	v6 =	vadd.f32 v9, v6  }
0xc9: {  	s18 =	sadd.s32 $0x1, s18;
	v8 =	vnsel vm13, $0x0, v62  }
0xca: {  	p1 =	sne.s32 s18, $0x10;
	vm14 =	vge.f32 v63, v5;
	v6 =	vadd.f32 v8, v6  }
.Ltmp3:
0xcb: {  	v7 =	vnsel vm14, $0x0, v7;
	(pc) =	sbr.rel @p1 .LBB2_8-.Ltmp3, $3  }
0xcc: {  	v6 =	vadd.f32 v7, v6;
	_ =	sdelay $0x1  }
0xcd: {  	vm15 =	vle.f32 v6, v1  }
0xce: {  	v4 =	vsel vm15, v4, v5;
	v3 =	vsel vm15, v5, v3  }
0xcf: {  	s18 =	simm.s32 $0x0  }
0xd0: {  	v4 =	vld [tilespmem:s18+$0x5A10];
	_ =	sdelay $0x1  }
0xd1: {  	v5 =	vld [tilespmem:s18+$0x6310];
	_ =	sdelay $0x1  }
0xd2: {  	v6 =	vimm.f32 $+Inf;
	v7 =	vld [tilespmem:s18+$0x5A20]  }
0xd3: {  	vm0 =	vge.f32 v4, v3;
	v4 =	vmin.f32 v6, v4  }
0xd4: {  	v4 =	vsel vm0, v4, v6;
	v6 =	vld [tilespmem:s18+$0x6320]  }
0xd5: {  	vm0 =	vge.f32 v5, v3;
	v5 =	vmin.f32 v4, v5  }
0xd6: {  	v4 =	vsel vm0, v5, v4;
	v5 =	vld [tilespmem:s18+$0x5A30]  }
0xd7: {  	vm0 =	vge.f32 v7, v3;
	v7 =	vmin.f32 v4, v7  }
0xd8: {  	v4 =	vsel vm0, v7, v4  }
0xd9: {  	v7 =	vld [tilespmem:s18+$0x6330];
	vm0 =	vge.f32 v6, v3;
	v6 =	vmin.f32 v4, v6  }
0xda: {  	v4 =	vsel vm0, v6, v4  }
0xdb: {  	vm0 =	vge.f32 v5, v3;
	v6 =	vmin.f32 v4, v5;
	v5 =	vld [tilespmem:s18+$0x5A40];
	_ =	sdelay $0x1  }
0xdc: {  	v6 =	vsel vm0, v6, v4;
	v4 =	vld [tilespmem:s18+$0x6340]  }
0xdd: {  	s19 =	simm.s32 $0x200;
	s18 =	simm.s32 $0x40;
	vm0 =	vge.f32 v7, v3;
	v7 =	vmin.f32 v6, v7  }
.LBB2_12:
0xde: {  	p1 =	sne.s32 s19, $0x2300;
	v8 =	vld [tilespmem:s18+$0x5A10];
	v6 =	vsel vm0, v7, v6  }
0xdf: {  	vm0 =	vge.f32 v5, v3;
	v5 =	vmin.f32 v6, v5  }
0xe0: {  	v7 =	vld [tilespmem:s18+$0x6310];
	v5 =	vsel vm0, v5, v6  }
0xe1: {  	vm0 =	vge.f32 v4, v3;
	v4 =	vmin.f32 v5, v4  }
0xe2: {  	v6 =	vld [tilespmem:s18+$0x5A20];
	v4 =	vsel vm0, v4, v5  }
0xe3: {  	vm0 =	vge.f32 v8, v3;
	v5 =	vmin.f32 v4, v8  }
0xe4: {  	v4 =	vsel vm0, v5, v4;
	v5 =	vld [tilespmem:s18+$0x6320]  }
0xe5: {  	vm0 =	vge.f32 v7, v3;
	v7 =	vmin.f32 v4, v7  }
0xe6: {  	v4 =	vsel vm0, v7, v4;
	v7 =	vld [tilespmem:s18+$0x5A30]  }
0xe7: {  	vm0 =	vge.f32 v6, v3;
	v6 =	vmin.f32 v4, v6  }
0xe8: {  	v4 =	vsel vm0, v6, v4;
	v8 =	vld [tilespmem:s18+$0x6330]  }
.Ltmp4:
0xe9: {  	vm0 =	vge.f32 v5, v3;
	v5 =	vmin.f32 v4, v5;
	(pc) =	sbr.rel @p1 .LBB2_12-.Ltmp4, $4  }
0xea: {  	v4 =	vsel vm0, v5, v4;
	v5 =	vld [tilespmem:s18+$0x5A40]  }
0xeb: {  	vm0 =	vge.f32 v7, v3;
	v6 =	vmin.f32 v4, v7  }
0xec: {  	v6 =	vsel vm0, v6, v4;
	v4 =	vld [tilespmem:s18+$0x6340]  }
0xed: {  	s18 =	sshra.s32 s19, $0x2;
	s19 =	sadd.s32 $0x100, s19;
	vm0 =	vge.f32 v8, v3;
	v7 =	vmin.f32 v6, v8  }
0xee: {  	v8 =	vld [tilespmem:s18+$0x5A10];
	v6 =	vsel vm0, v7, v6  }
0xef: {  	vm6 =	vge.f32 v5, v3;
	v55 =	vmin.f32 v6, v5  }
0xf0: {  	v56 =	vld [tilespmem:s18+$0x6310];
	v5 =	vsel vm6, v55, v6  }
0xf1: {  	vm7 =	vge.f32 v4, v3;
	v57 =	vmin.f32 v5, v4  }
0xf2: {  	v58 =	vld [tilespmem:s18+$0x5A20];
	v4 =	vsel vm7, v57, v5  }
0xf3: {  	vm8 =	vge.f32 v8, v3;
	v5 =	vmin.f32 v4, v8  }
0xf4: {  	v59 =	vld [tilespmem:s18+$0x6320];
	v4 =	vsel vm8, v5, v4  }
0xf5: {  	vm9 =	vge.f32 v56, v3;
	v7 =	vmin.f32 v4, v56  }
0xf6: {  	v60 =	vld [tilespmem:s18+$0x5A30];
	v4 =	vsel vm9, v7, v4  }
0xf7: {  	vm10 =	vge.f32 v58, v3;
	v6 =	vmin.f32 v4, v58  }
0xf8: {  	v61 =	vld [tilespmem:s18+$0x6330];
	v4 =	vsel vm10, v6, v4  }
0xf9: {  	vm11 =	vge.f32 v59, v3;
	v5 =	vmin.f32 v4, v59  }
0xfa: {  	v62 =	vld [tilespmem:s18+$0x5A40];
	v4 =	vsel vm11, v5, v4  }
0xfb: {  	vm12 =	vge.f32 v60, v3;
	v7 =	vmin.f32 v4, v60  }
0xfc: {  	v63 =	vld [tilespmem:s18+$0x6340];
	v4 =	vsel vm12, v7, v4  }
0xfd: {  	vm13 =	vge.f32 v61, v3;
	v6 =	vmin.f32 v4, v61  }
0xfe: {  	v4 =	vsel vm13, v6, v4  }
.Ltmp5:
0xff: {  	vm14 =	vge.f32 v62, v3;
	v5 =	vmin.f32 v4, v62;
	(pc) =	sbr.rel @p0 .LBB2_5-.Ltmp5, $4  }
0x100: {  	v4 =	vsel vm14, v5, v4  }
0x101: {  	vm15 =	vge.f32 v63, v3;
	v3 =	vmin.f32 v4, v63  }
0x102: {  	v3 =	vsel vm15, v3, v4  }
0x103: {  	p1 =	por $0x0, $0x0;
	[tilespmem:v2+s17+$0x0 ss:$0x1] =	vst.idx.msk $0xffff, v3;
	s17 =	simm.s32 $0x10  }
0x104: {  	s15 =	sadd.s32 $0x1, s15  }
0x105: {  	p0 =	sne.s32 s15, $0x10  }
.Ltmp6:
0x106: {  	_ = 	snop;
	(pc) =	sbr.rel @p0 .LBB2_2-.Ltmp6, $1  }
0x107: {  	_ =	sdelay $0x3  }
0x108: {  	s14 =	sadd.s32 $0x1, s14  }
0x109: {  	p0 =	sne.s32 s14, s8  }
.Ltmp7:
0x10a: {  	_ = 	snop;
	(pc) =	sbr.rel @p0 .LBB2_1-.Ltmp7, $4  }
0x10b: {  	[hbm4b:s7+s3] =	stream.linear.scatter [tilespmem:s13], [sflag:$0x1], $0x200, $0x38;
	[tilespmem:$0x6E10] =	vst v63  }
0x10c: {  	_ =	swait.ge [sflag:s9], $0x200  }
0x10d: {  	[sflag:s9] =	ssyncset.done $0x0  }
0x10e: {  	[sflag:s9] =	ssyncadd.s32 $0xFFFFFE00  }
0x10f: {  	_ =	sfence.sel $0x180000  }
0x110: {  	[bflag:$0x0] =	sbarrier.arrive $0xFFFF  }
0x111: {  	p0 =	sne.s32 s2, $0x0;
	_ =	strace $0x90000047  }
0x112: {  	s0 =	sadd.s32 @!p0 $0x100000, s0;
	[bflag:$0x2] =	sbarrier.arrive $0xFFFF  }
0x113: {  	[sflag:s0] =	ssyncadd.tile.s32 @!p0 $0x1;
	_ =	shalt  }
.Lfunc_end2:
_tile_overlayer_lowered:
.L_overlay_start_2:
0x114: {  	(tag) =	ssettag $0x2  }
0x115: {  	s0 =	rddreg [dreg:$0x0];
	s2 =	stileid.u32  }
0x116: {  	s1 =	rddreg [dreg:$0x1];
	p0 =	sne.s32 s2, $0x0  }
0x117: {  	s3 =	rddreg [dreg:$0x2];
	[bflag:$0x3] =	sbarrier.arrive $0xFFFF;
	s2 =	simm.s32 @!p0 $0x1C01  }
0x118: {  	[timem:s3], [sflag:s2] =	dma.local @!p0 [hbm:s0], s1  }
0x119: {  	s0 =	simm.s32 @!p0 $0x1  }
0x11a: {  	_ =	swait.ge @!p0 [sflag:s0], s1  }
0x11b: {  	s1 =	ssub.s32 @!p0 $0x0, s1;
	[sflag:s0] =	ssyncset.done @!p0 $0x0  }
0x11c: {  	[sflag:s0] =	ssyncadd.s32 @!p0 s1  }
0x11d: {  	[bflag:$0x3] =	sbarrier.arrive $0xFFFF  }
0x11e: {  	_ =	shalt  }

</sc_bundles>
